<compile_context>
chip_gen: v7x
topology: tpu7x:2x2x1
jax: 0.10.2.dev20260603
libtpu: 0.0.44.dev20260713+nightly
codegen_flags: <defaults>
</compile_context>

<pallas_src>
import functools

import jax
import jax.numpy as jnp
from jax import lax
from jax.experimental import pallas as pl
from jax.experimental.pallas import tpu as pltpu
from jax.experimental.pallas import tpu_sc as plsc

VOCAB = 1000000
MAXLEN = 200
EMBED = 64
BATCH = 4096

NUM_CORES = 2
NUM_SUBCORES = 16
NUM_WORKERS = NUM_CORES * NUM_SUBCORES

HALF = 100
ROWS_PER_ITER = 2
NBUF = 4
VROWS = BATCH * MAXLEN // HALF
VROWS_PER_W = VROWS // NUM_WORKERS
NITER = VROWS_PER_W // ROWS_PER_ITER


def kernel(x, token_table, pos_table):
    mesh = plsc.VectorSubcoreMesh(
        core_axis_name="c", subcore_axis_name="s",
        num_cores=NUM_CORES, num_subcores=NUM_SUBCORES)

    scratch = (
        [pltpu.VMEM((ROWS_PER_ITER, HALF, EMBED), jnp.float32)] * NBUF
        + [pltpu.VMEM((ROWS_PER_ITER, HALF), jnp.int32)] * NBUF
        + [pltpu.VMEM_SHARED((ROWS_PER_ITER, HALF, EMBED), jnp.float32)]
        + [pltpu.SemaphoreType.DMA] * (4 * NBUF)
    )

    @functools.partial(
        pl.kernel,
        out_type=jax.ShapeDtypeStruct((VROWS, HALF, EMBED), jnp.float32),
        mesh=mesh,
        compiler_params=pltpu.CompilerParams(use_tc_tiling_on_sc=False),
        scratch_types=scratch,
    )
    def emb_kernel(x_hbm, tok_hbm, pos_hbm, out_hbm, *refs):
        bufs = refs[0:NBUF]
        idxs = refs[NBUF:2 * NBUF]
        pos_sh = refs[2 * NBUF]
        sems = refs[2 * NBUF + 1:]
        isems = sems[0:NBUF]
        rsems = sems[NBUF:2 * NBUF]
        gsems = sems[2 * NBUF:3 * NBUF]
        wsems = sems[3 * NBUF:4 * NBUF]

        sid = lax.axis_index("s")
        wid = sid * NUM_CORES + lax.axis_index("c")
        base = wid * VROWS_PER_W

        @pl.when(sid == 0)
        def _():
            for k in range(ROWS_PER_ITER // 2):
                pltpu.sync_copy(pos_hbm, pos_sh.at[pl.ds(2 * k, 2)])

        plsc.subcore_barrier()

        def prep(r, b):
            pltpu.async_copy(pos_sh, bufs[b], rsems[b])
            pltpu.async_copy(
                x_hbm.at[pl.ds(base + r * ROWS_PER_ITER, ROWS_PER_ITER)],
                idxs[b], isems[b])

        prep(0, 0)
        prep(1, 1)

        def outer(g, carry):
            for b0 in range(NBUF):
                r = g * NBUF + b0
                b = b0
                bn = (b0 + 2) % NBUF
                wait_i = pltpu.make_async_copy(
                    x_hbm.at[pl.ds(0, ROWS_PER_ITER)], idxs[b], isems[b])
                wait_i.wait()
                wait_r = pltpu.make_async_copy(pos_sh, bufs[b], rsems[b])
                wait_r.wait()
                gcps = [
                    pltpu.async_copy(
                        tok_hbm.at[idxs[b].at[j]], bufs[b].at[j], gsems[b],
                        add=True)
                    for j in range(ROWS_PER_ITER)]

                @pl.when(r + 2 < NITER)
                def _():
                    @pl.when(r >= 2)
                    def _():
                        pltpu.make_async_copy(
                            bufs[bn],
                            out_hbm.at[pl.ds(0, ROWS_PER_ITER)],
                            wsems[bn]).wait()
                    prep(r + 2, bn)

                for gcp in gcps:
                    gcp.wait()
                pltpu.async_copy(
                    bufs[b],
                    out_hbm.at[pl.ds(base + r * ROWS_PER_ITER, ROWS_PER_ITER)],
                    wsems[b])
            return carry

        lax.fori_loop(0, NITER // NBUF, outer, 0)

        for b in range(NBUF):
            pltpu.make_async_copy(
                bufs[b], out_hbm.at[pl.ds(0, ROWS_PER_ITER)], wsems[b]).wait()

    out = emb_kernel(x.reshape(VROWS, HALF), token_table,
                     pos_table.reshape(2, HALF, EMBED))
    return out.reshape(BATCH, MAXLEN, EMBED)

# --- scband reference (transcript-rebuilt; emitter-appended) ---
"""Pipeline reference for scband-token-and-position-embedding-8632884265057 (READ-ONLY COPY).

The authoritative reference and input builder live on the scoring server;
editing this copy changes nothing except your own understanding.
"""

import jax, jax.numpy as jnp
import numpy as np

VOCAB = 1000000
MAXLEN = 200
EMBED = 64
BATCH = 4096

def setup_inputs(seed: int = 0) -> dict:
    key = jax.random.key(seed)
    k1, k2, k3 = jax.random.split(key, 3)
    x = jax.random.randint(k1, (BATCH, MAXLEN), 0, VOCAB, dtype=jnp.int64 if jax.config.jax_enable_x64 else jnp.int32)
    token_table = jax.random.normal(k2, (VOCAB, EMBED), dtype=jnp.float32) * 0.02
    pos_table = jax.random.normal(k3, (MAXLEN, EMBED), dtype=jnp.float32) * 0.02
    return {"x": x, "token_table": token_table, "pos_table": pos_table}

def reference(x, token_table, pos_table):
    maxlen = x.shape[-1]
    positions = jnp.arange(0, maxlen)
    pos_embedded = jnp.take(pos_table, positions, axis=0)  # [maxlen, embed]
    tok_embedded = jnp.take(token_table, x, axis=0)        # [batch, maxlen, embed]
    return tok_embedded + pos_embedded

if __name__ == "__main__":
    import jax
    _d = setup_inputs()
    print(jax.jit(kernel)(*tuple(_d.values())))

</pallas_src>

<mosaic_0001>
#map = affine_map<(d0, d1) -> (0, 0)>
#map1 = affine_map<(d0, d1) -> (0, 0, 0)>
module attributes {stable_mosaic.version = 14 : i64} {
  func.func @emb_kernel(%arg0: i32, %arg1: i32, %arg2: memref<8192x100xi32, #tpu.memory_space<hbm>>, %arg3: memref<1000000x64xf32, #tpu.memory_space<hbm>>, %arg4: memref<2x100x64xf32, #tpu.memory_space<hbm>>, %arg5: memref<8192x100x64xf32, #tpu.memory_space<hbm>>, %arg6: memref<2x100x64xf32, #tpu.memory_space<vmem>>, %arg7: memref<2x100x64xf32, #tpu.memory_space<vmem>>, %arg8: memref<2x100x64xf32, #tpu.memory_space<vmem>>, %arg9: memref<2x100x64xf32, #tpu.memory_space<vmem>>, %arg10: memref<2x100xi32, #tpu.memory_space<vmem>>, %arg11: memref<2x100xi32, #tpu.memory_space<vmem>>, %arg12: memref<2x100xi32, #tpu.memory_space<vmem>>, %arg13: memref<2x100xi32, #tpu.memory_space<vmem>>, %arg14: memref<2x100x64xf32, #tpu.memory_space<vmem_shared>>, %arg15: memref<!tpu.dma_semaphore, #tpu.memory_space<semaphore_mem>>, %arg16: memref<!tpu.dma_semaphore, #tpu.memory_space<semaphore_mem>>, %arg17: memref<!tpu.dma_semaphore, #tpu.memory_space<semaphore_mem>>, %arg18: memref<!tpu.dma_semaphore, #tpu.memory_space<semaphore_mem>>, %arg19: memref<!tpu.dma_semaphore, #tpu.memory_space<semaphore_mem>>, %arg20: memref<!tpu.dma_semaphore, #tpu.memory_space<semaphore_mem>>, %arg21: memref<!tpu.dma_semaphore, #tpu.memory_space<semaphore_mem>>, %arg22: memref<!tpu.dma_semaphore, #tpu.memory_space<semaphore_mem>>, %arg23: memref<!tpu.dma_semaphore, #tpu.memory_space<semaphore_mem>>, %arg24: memref<!tpu.dma_semaphore, #tpu.memory_space<semaphore_mem>>, %arg25: memref<!tpu.dma_semaphore, #tpu.memory_space<semaphore_mem>>, %arg26: memref<!tpu.dma_semaphore, #tpu.memory_space<semaphore_mem>>, %arg27: memref<!tpu.dma_semaphore, #tpu.memory_space<semaphore_mem>>, %arg28: memref<!tpu.dma_semaphore, #tpu.memory_space<semaphore_mem>>, %arg29: memref<!tpu.dma_semaphore, #tpu.memory_space<semaphore_mem>>, %arg30: memref<!tpu.dma_semaphore, #tpu.memory_space<semaphore_mem>>) attributes {dimension_semantics = [#tpu.dimension_semantics<core_parallel>, #tpu.dimension_semantics<subcore_parallel>], iteration_bounds = array<i64: 2, 16>, scalar_prefetch = 0 : i64, scratch_operands = 25 : i64, tpu.core_type = #tpu.core_type<sc_vector_subcore>, window_params = [{transform_indices = #map}, {transform_indices = #map}, {transform_indices = #map1}, {transform_indices = #map1}]} {
    %mul3A = arith.constant 2 : i32
    %mul3A_0 = arith.muli %arg1, %mul3A : i32
    %add3A = arith.addi %mul3A_0, %arg0 : i32
    %mul3A_1 = arith.constant 256 : i32
    %mul3A_2 = arith.muli %add3A, %mul3A_1 : i32
    %eq3A = arith.constant 0 : i32
    %eq3A_3 = arith.cmpi eq, %arg1, %eq3A : i32
    %convert_element_type3A = arith.extui %eq3A_3 : i1 to i32
    %cond3A = arith.constant 0 : i32
    %cond3A_4 = arith.cmpi ne, %convert_element_type3A, %cond3A : i32
    scf.if %cond3A_4 {
      "tpu.region"() ({
        %run_scoped3A = tpu.sem_alloc : memref<!tpu.dma_semaphore, #tpu.memory_space<semaphore_mem>>
        %dma_start3A_52 = arith.constant 0 : i32
        %dma_start3A_53 = arith.constant 0 : i32
        %dma_start3A_54 = arith.constant 0 : i32
        %dma_start3A_55 = tpu.memref_slice %arg14[%dma_start3A_52, %dma_start3A_53, %dma_start3A_54] : memref<2x100x64xf32, #tpu.memory_space<vmem_shared>> -> memref<2x100x64xf32, #tpu.memory_space<vmem_shared>>
        tpu.enqueue_dma source(%arg4 : memref<2x100x64xf32, #tpu.memory_space<hbm>>) target(%dma_start3A_55 : memref<2x100x64xf32, #tpu.memory_space<vmem_shared>>) target_semaphore(%run_scoped3A : memref<!tpu.dma_semaphore, #tpu.memory_space<semaphore_mem>>)
        %dma_wait3A_56 = arith.constant 0 : i32
        %dma_wait3A_57 = arith.constant 0 : i32
        %dma_wait3A_58 = arith.constant 0 : i32
        %dma_wait3A_59 = tpu.memref_slice %arg14[%dma_wait3A_56, %dma_wait3A_57, %dma_wait3A_58] : memref<2x100x64xf32, #tpu.memory_space<vmem_shared>> -> memref<2x100x64xf32, #tpu.memory_space<vmem_shared>>
        tpu.wait_dma2 semaphore(%run_scoped3A : memref<!tpu.dma_semaphore, #tpu.memory_space<semaphore_mem>>) src(%arg4 : memref<2x100x64xf32, #tpu.memory_space<hbm>>) dst(%dma_wait3A_59 : memref<2x100x64xf32, #tpu.memory_space<vmem_shared>>)
        tpu.yield
      }) : () -> ()
    } else {
    }
    %barrier3A = arith.constant 0 : index
    tpu.barrier barrier_id(%barrier3A)
    tpu.enqueue_dma source(%arg14 : memref<2x100x64xf32, #tpu.memory_space<vmem_shared>>) target(%arg6 : memref<2x100x64xf32, #tpu.memory_space<vmem>>) target_semaphore(%arg19 : memref<!tpu.dma_semaphore, #tpu.memory_space<semaphore_mem>>)
    %add3A_5 = arith.constant 0 : i32
    %add3A_6 = arith.addi %mul3A_2, %add3A_5 : i32
    %dma_start3A = arith.constant 0 : i32
    %dma_start3A_7 = tpu.memref_slice %arg2[%add3A_6, %dma_start3A] : memref<8192x100xi32, #tpu.memory_space<hbm>> -> memref<2x100xi32, #tpu.memory_space<hbm>>
    %dma_start3A_8 = arith.constant 0 : i32
    %dma_start3A_9 = tpu.memref_slice %arg2[%add3A_6, %dma_start3A_8] : memref<8192x100xi32, #tpu.memory_space<hbm>> -> memref<2x100xi32, #tpu.memory_space<hbm>>
    tpu.enqueue_dma source(%dma_start3A_9 : memref<2x100xi32, #tpu.memory_space<hbm>>) target(%arg10 : memref<2x100xi32, #tpu.memory_space<vmem>>) target_semaphore(%arg15 : memref<!tpu.dma_semaphore, #tpu.memory_space<semaphore_mem>>)
    tpu.enqueue_dma source(%arg14 : memref<2x100x64xf32, #tpu.memory_space<vmem_shared>>) target(%arg7 : memref<2x100x64xf32, #tpu.memory_space<vmem>>) target_semaphore(%arg20 : memref<!tpu.dma_semaphore, #tpu.memory_space<semaphore_mem>>)
    %add3A_10 = arith.constant 2 : i32
    %add3A_11 = arith.addi %mul3A_2, %add3A_10 : i32
    %dma_start3A_12 = arith.constant 0 : i32
    %dma_start3A_13 = tpu.memref_slice %arg2[%add3A_11, %dma_start3A_12] : memref<8192x100xi32, #tpu.memory_space<hbm>> -> memref<2x100xi32, #tpu.memory_space<hbm>>
    %dma_start3A_14 = arith.constant 0 : i32
    %dma_start3A_15 = tpu.memref_slice %arg2[%add3A_11, %dma_start3A_14] : memref<8192x100xi32, #tpu.memory_space<hbm>> -> memref<2x100xi32, #tpu.memory_space<hbm>>
    tpu.enqueue_dma source(%dma_start3A_15 : memref<2x100xi32, #tpu.memory_space<hbm>>) target(%arg11 : memref<2x100xi32, #tpu.memory_space<vmem>>) target_semaphore(%arg16 : memref<!tpu.dma_semaphore, #tpu.memory_space<semaphore_mem>>)
    %scan3A = arith.constant 0 : i32
    %scan3A_16 = arith.constant 0 : i32
    %scan3A_17 = arith.constant 32 : i32
    %scan3A_18 = arith.addi %scan3A_16, %scan3A_17 : i32
    %scan3A_19 = arith.constant 1 : i32
    scf.for %scan3A_52 = %scan3A_16 to %scan3A_18 step %scan3A_19  : i32 {
      %mul3A_53 = arith.constant 4 : i32
      %mul3A_54 = arith.muli %scan3A_52, %mul3A_53 : i32
      %add3A_55 = arith.constant 0 : i32
      %add3A_56 = arith.addi %mul3A_54, %add3A_55 : i32
      %dma_wait3A_57 = arith.constant 0 : i32
      %dma_wait3A_58 = arith.constant 0 : i32
      %dma_wait3A_59 = tpu.memref_slice %arg2[%dma_wait3A_57, %dma_wait3A_58] : memref<8192x100xi32, #tpu.memory_space<hbm>> -> memref<2x100xi32, #tpu.memory_space<hbm>>
      %dma_wait3A_60 = arith.constant 0 : i32
      %dma_wait3A_61 = arith.constant 0 : i32
      %dma_wait3A_62 = tpu.memref_slice %arg2[%dma_wait3A_60, %dma_wait3A_61] : memref<8192x100xi32, #tpu.memory_space<hbm>> -> memref<2x100xi32, #tpu.memory_space<hbm>>
      tpu.wait_dma2 semaphore(%arg15 : memref<!tpu.dma_semaphore, #tpu.memory_space<semaphore_mem>>) src(%dma_wait3A_62 : memref<2x100xi32, #tpu.memory_space<hbm>>) dst(%arg10 : memref<2x100xi32, #tpu.memory_space<vmem>>)
      tpu.wait_dma2 semaphore(%arg19 : memref<!tpu.dma_semaphore, #tpu.memory_space<semaphore_mem>>) src(%arg14 : memref<2x100x64xf32, #tpu.memory_space<vmem_shared>>) dst(%arg6 : memref<2x100x64xf32, #tpu.memory_space<vmem>>)
      %dma_start3A_63 = arith.constant 0 : i32
      %dma_start3A_64 = arith.constant 0 : i32
      %dma_start3A_65 = arith.constant 0 : i32
      %dma_start3A_66 = arith.constant 0 : i32
      %dma_start3A_67 = tpu.memref_slice %arg6[%dma_start3A_64, %dma_start3A_65, %dma_start3A_66] : memref<2x100x64xf32, #tpu.memory_space<vmem>> -> memref<1x100x64xf32, #tpu.memory_space<vmem>>
      %dma_start3A_68 = tpu.memref_squeeze %dma_start3A_67 : memref<1x100x64xf32, #tpu.memory_space<vmem>> -> memref<100x64xf32, #tpu.memory_space<vmem>>
      %dma_start3A_69 = arith.constant 0 : i32
      %dma_start3A_70 = tpu.memref_slice %arg10[%dma_start3A_63, %dma_start3A_69] : memref<2x100xi32, #tpu.memory_space<vmem>> -> memref<1x100xi32, #tpu.memory_space<vmem>>
      %dma_start3A_71 = tpu.memref_squeeze %dma_start3A_70 : memref<1x100xi32, #tpu.memory_space<vmem>> -> memref<100xi32, #tpu.memory_space<vmem>>
      %dma_start3A_72 = arith.constant 0 : i32
      %dma_start3A_73 = arith.constant 0 : i32
      %dma_start3A_74 = tpu.memref_slice %arg3[%dma_start3A_72, %dma_start3A_73] : memref<1000000x64xf32, #tpu.memory_space<hbm>> -> memref<1000000x64xf32, #tpu.memory_space<hbm>>
      tpu.enqueue_indirect_dma source(%dma_start3A_74 : memref<1000000x64xf32, #tpu.memory_space<hbm>>) target(%dma_start3A_68 : memref<100x64xf32, #tpu.memory_space<vmem>>) offsets(%dma_start3A_71 : memref<100xi32, #tpu.memory_space<vmem>>) semaphore(%arg23 : memref<!tpu.dma_semaphore, #tpu.memory_space<semaphore_mem>>) {add = true}
      %dma_start3A_75 = arith.constant 1 : i32
      %dma_start3A_76 = arith.constant 1 : i32
      %dma_start3A_77 = arith.constant 0 : i32
      %dma_start3A_78 = arith.constant 0 : i32
      %dma_start3A_79 = tpu.memref_slice %arg6[%dma_start3A_76, %dma_start3A_77, %dma_start3A_78] : memref<2x100x64xf32, #tpu.memory_space<vmem>> -> memref<1x100x64xf32, #tpu.memory_space<vmem>>
      %dma_start3A_80 = tpu.memref_squeeze %dma_start3A_79 : memref<1x100x64xf32, #tpu.memory_space<vmem>> -> memref<100x64xf32, #tpu.memory_space<vmem>>
      %dma_start3A_81 = arith.constant 0 : i32
      %dma_start3A_82 = tpu.memref_slice %arg10[%dma_start3A_75, %dma_start3A_81] : memref<2x100xi32, #tpu.memory_space<vmem>> -> memref<1x100xi32, #tpu.memory_space<vmem>>
      %dma_start3A_83 = tpu.memref_squeeze %dma_start3A_82 : memref<1x100xi32, #tpu.memory_space<vmem>> -> memref<100xi32, #tpu.memory_space<vmem>>
      %dma_start3A_84 = arith.constant 0 : i32
      %dma_start3A_85 = arith.constant 0 : i32
      %dma_start3A_86 = tpu.memref_slice %arg3[%dma_start3A_84, %dma_start3A_85] : memref<1000000x64xf32, #tpu.memory_space<hbm>> -> memref<1000000x64xf32, #tpu.memory_space<hbm>>
      tpu.enqueue_indirect_dma source(%dma_start3A_86 : memref<1000000x64xf32, #tpu.memory_space<hbm>>) target(%dma_start3A_80 : memref<100x64xf32, #tpu.memory_space<vmem>>) offsets(%dma_start3A_83 : memref<100xi32, #tpu.memory_space<vmem>>) semaphore(%arg23 : memref<!tpu.dma_semaphore, #tpu.memory_space<semaphore_mem>>) {add = true}
      %add3A_87 = arith.constant 2 : i32
      %add3A_88 = arith.addi %add3A_56, %add3A_87 : i32
      %lt3A = arith.constant 128 : i32
      %lt3A_89 = arith.cmpi slt, %add3A_88, %lt3A : i32
      %convert_element_type3A_90 = arith.extui %lt3A_89 : i1 to i32
      %cond3A_91 = arith.constant 0 : i32
      %cond3A_92 = arith.cmpi ne, %convert_element_type3A_90, %cond3A_91 : i32
      scf.if %cond3A_92 {
        %ge3A = arith.constant 2 : i32
        %ge3A_348 = arith.cmpi sge, %add3A_56, %ge3A : i32
        %convert_element_type3A_349 = arith.extui %ge3A_348 : i1 to i32
        %cond3A_350 = arith.constant 0 : i32
        %cond3A_351 = arith.cmpi ne, %convert_element_type3A_349, %cond3A_350 : i32
        scf.if %cond3A_351 {
          %dma_wait3A_361 = arith.constant 0 : i32
          %dma_wait3A_362 = arith.constant 0 : i32
          %dma_wait3A_363 = arith.constant 0 : i32
          %dma_wait3A_364 = tpu.memref_slice %arg5[%dma_wait3A_361, %dma_wait3A_362, %dma_wait3A_363] : memref<8192x100x64xf32, #tpu.memory_space<hbm>> -> memref<2x100x64xf32, #tpu.memory_space<hbm>>
          %dma_wait3A_365 = arith.constant 0 : i32
          %dma_wait3A_366 = arith.constant 0 : i32
          %dma_wait3A_367 = arith.constant 0 : i32
          %dma_wait3A_368 = tpu.memref_slice %arg5[%dma_wait3A_365, %dma_wait3A_366, %dma_wait3A_367] : memref<8192x100x64xf32, #tpu.memory_space<hbm>> -> memref<2x100x64xf32, #tpu.memory_space<hbm>>
          tpu.wait_dma2 semaphore(%arg29 : memref<!tpu.dma_semaphore, #tpu.memory_space<semaphore_mem>>) src(%arg8 : memref<2x100x64xf32, #tpu.memory_space<vmem>>) dst(%dma_wait3A_368 : memref<2x100x64xf32, #tpu.memory_space<hbm>>)
        } else {
        }
        %add3A_352 = arith.constant 2 : i32
        %add3A_353 = arith.addi %add3A_56, %add3A_352 : i32
        tpu.enqueue_dma source(%arg14 : memref<2x100x64xf32, #tpu.memory_space<vmem_shared>>) target(%arg8 : memref<2x100x64xf32, #tpu.memory_space<vmem>>) target_semaphore(%arg21 : memref<!tpu.dma_semaphore, #tpu.memory_space<semaphore_mem>>)
        %mul3A_354 = arith.constant 2 : i32
        %mul3A_355 = arith.muli %add3A_353, %mul3A_354 : i32
        %add3A_356 = arith.addi %mul3A_2, %mul3A_355 : i32
        %dma_start3A_357 = arith.constant 0 : i32
        %dma_start3A_358 = tpu.memref_slice %arg2[%add3A_356, %dma_start3A_357] : memref<8192x100xi32, #tpu.memory_space<hbm>> -> memref<2x100xi32, #tpu.memory_space<hbm>>
        %dma_start3A_359 = arith.constant 0 : i32
        %dma_start3A_360 = tpu.memref_slice %arg2[%add3A_356, %dma_start3A_359] : memref<8192x100xi32, #tpu.memory_space<hbm>> -> memref<2x100xi32, #tpu.memory_space<hbm>>
        tpu.enqueue_dma source(%dma_start3A_360 : memref<2x100xi32, #tpu.memory_space<hbm>>) target(%arg12 : memref<2x100xi32, #tpu.memory_space<vmem>>) target_semaphore(%arg17 : memref<!tpu.dma_semaphore, #tpu.memory_space<semaphore_mem>>)
      } else {
      }
      %dma_wait3A_93 = arith.constant 0 : i32
      %dma_wait3A_94 = arith.constant 0 : i32
      %dma_wait3A_95 = arith.constant 0 : i32
      %dma_wait3A_96 = arith.constant 0 : i32
      %dma_wait3A_97 = tpu.memref_slice %arg6[%dma_wait3A_94, %dma_wait3A_95, %dma_wait3A_96] : memref<2x100x64xf32, #tpu.memory_space<vmem>> -> memref<1x100x64xf32, #tpu.memory_space<vmem>>
      %dma_wait3A_98 = tpu.memref_squeeze %dma_wait3A_97 : memref<1x100x64xf32, #tpu.memory_space<vmem>> -> memref<100x64xf32, #tpu.memory_space<vmem>>
      %dma_wait3A_99 = arith.constant 0 : i32
      %dma_wait3A_100 = tpu.memref_slice %arg10[%dma_wait3A_93, %dma_wait3A_99] : memref<2x100xi32, #tpu.memory_space<vmem>> -> memref<1x100xi32, #tpu.memory_space<vmem>>
      %dma_wait3A_101 = tpu.memref_squeeze %dma_wait3A_100 : memref<1x100xi32, #tpu.memory_space<vmem>> -> memref<100xi32, #tpu.memory_space<vmem>>
      %dma_wait3A_102 = arith.constant 0 : i32
      %dma_wait3A_103 = arith.constant 0 : i32
      %dma_wait3A_104 = tpu.memref_slice %arg3[%dma_wait3A_102, %dma_wait3A_103] : memref<1000000x64xf32, #tpu.memory_space<hbm>> -> memref<1000000x64xf32, #tpu.memory_space<hbm>>
      tpu.wait_indirect_dma semaphore(%arg23 : memref<!tpu.dma_semaphore, #tpu.memory_space<semaphore_mem>>) src(%dma_wait3A_104 : memref<1000000x64xf32, #tpu.memory_space<hbm>>) dst(%dma_wait3A_98 : memref<100x64xf32, #tpu.memory_space<vmem>>)
      %dma_wait3A_105 = arith.constant 1 : i32
      %dma_wait3A_106 = arith.constant 1 : i32
      %dma_wait3A_107 = arith.constant 0 : i32
      %dma_wait3A_108 = arith.constant 0 : i32
      %dma_wait3A_109 = tpu.memref_slice %arg6[%dma_wait3A_106, %dma_wait3A_107, %dma_wait3A_108] : memref<2x100x64xf32, #tpu.memory_space<vmem>> -> memref<1x100x64xf32, #tpu.memory_space<vmem>>
      %dma_wait3A_110 = tpu.memref_squeeze %dma_wait3A_109 : memref<1x100x64xf32, #tpu.memory_space<vmem>> -> memref<100x64xf32, #tpu.memory_space<vmem>>
      %dma_wait3A_111 = arith.constant 0 : i32
      %dma_wait3A_112 = tpu.memref_slice %arg10[%dma_wait3A_105, %dma_wait3A_111] : memref<2x100xi32, #tpu.memory_space<vmem>> -> memref<1x100xi32, #tpu.memory_space<vmem>>
      %dma_wait3A_113 = tpu.memref_squeeze %dma_wait3A_112 : memref<1x100xi32, #tpu.memory_space<vmem>> -> memref<100xi32, #tpu.memory_space<vmem>>
      %dma_wait3A_114 = arith.constant 0 : i32
      %dma_wait3A_115 = arith.constant 0 : i32
      %dma_wait3A_116 = tpu.memref_slice %arg3[%dma_wait3A_114, %dma_wait3A_115] : memref<1000000x64xf32, #tpu.memory_space<hbm>> -> memref<1000000x64xf32, #tpu.memory_space<hbm>>
      tpu.wait_indirect_dma semaphore(%arg23 : memref<!tpu.dma_semaphore, #tpu.memory_space<semaphore_mem>>) src(%dma_wait3A_116 : memref<1000000x64xf32, #tpu.memory_space<hbm>>) dst(%dma_wait3A_110 : memref<100x64xf32, #tpu.memory_space<vmem>>)
      %mul3A_117 = arith.constant 2 : i32
      %mul3A_118 = arith.muli %add3A_56, %mul3A_117 : i32
      %add3A_119 = arith.addi %mul3A_2, %mul3A_118 : i32
      %dma_start3A_120 = arith.constant 0 : i32
      %dma_start3A_121 = arith.constant 0 : i32
      %dma_start3A_122 = tpu.memref_slice %arg5[%add3A_119, %dma_start3A_120, %dma_start3A_121] : memref<8192x100x64xf32, #tpu.memory_space<hbm>> -> memref<2x100x64xf32, #tpu.memory_space<hbm>>
      %dma_start3A_123 = arith.constant 0 : i32
      %dma_start3A_124 = arith.constant 0 : i32
      %dma_start3A_125 = tpu.memref_slice %arg5[%add3A_119, %dma_start3A_123, %dma_start3A_124] : memref<8192x100x64xf32, #tpu.memory_space<hbm>> -> memref<2x100x64xf32, #tpu.memory_space<hbm>>
      tpu.enqueue_dma source(%arg6 : memref<2x100x64xf32, #tpu.memory_space<vmem>>) target(%dma_start3A_125 : memref<2x100x64xf32, #tpu.memory_space<hbm>>) target_semaphore(%arg27 : memref<!tpu.dma_semaphore, #tpu.memory_space<semaphore_mem>>)
      %mul3A_126 = arith.constant 4 : i32
      %mul3A_127 = arith.muli %scan3A_52, %mul3A_126 : i32
      %add3A_128 = arith.constant 1 : i32
      %add3A_129 = arith.addi %mul3A_127, %add3A_128 : i32
      %dma_wait3A_130 = arith.constant 0 : i32
      %dma_wait3A_131 = arith.constant 0 : i32
      %dma_wait3A_132 = tpu.memref_slice %arg2[%dma_wait3A_130, %dma_wait3A_131] : memref<8192x100xi32, #tpu.memory_space<hbm>> -> memref<2x100xi32, #tpu.memory_space<hbm>>
      %dma_wait3A_133 = arith.constant 0 : i32
      %dma_wait3A_134 = arith.constant 0 : i32
      %dma_wait3A_135 = tpu.memref_slice %arg2[%dma_wait3A_133, %dma_wait3A_134] : memref<8192x100xi32, #tpu.memory_space<hbm>> -> memref<2x100xi32, #tpu.memory_space<hbm>>
      tpu.wait_dma2 semaphore(%arg16 : memref<!tpu.dma_semaphore, #tpu.memory_space<semaphore_mem>>) src(%dma_wait3A_135 : memref<2x100xi32, #tpu.memory_space<hbm>>) dst(%arg11 : memref<2x100xi32, #tpu.memory_space<vmem>>)
      tpu.wait_dma2 semaphore(%arg20 : memref<!tpu.dma_semaphore, #tpu.memory_space<semaphore_mem>>) src(%arg14 : memref<2x100x64xf32, #tpu.memory_space<vmem_shared>>) dst(%arg7 : memref<2x100x64xf32, #tpu.memory_space<vmem>>)
      %dma_start3A_136 = arith.constant 0 : i32
      %dma_start3A_137 = arith.constant 0 : i32
      %dma_start3A_138 = arith.constant 0 : i32
      %dma_start3A_139 = arith.constant 0 : i32
      %dma_start3A_140 = tpu.memref_slice %arg7[%dma_start3A_137, %dma_start3A_138, %dma_start3A_139] : memref<2x100x64xf32, #tpu.memory_space<vmem>> -> memref<1x100x64xf32, #tpu.memory_space<vmem>>
      %dma_start3A_141 = tpu.memref_squeeze %dma_start3A_140 : memref<1x100x64xf32, #tpu.memory_space<vmem>> -> memref<100x64xf32, #tpu.memory_space<vmem>>
      %dma_start3A_142 = arith.constant 0 : i32
      %dma_start3A_143 = tpu.memref_slice %arg11[%dma_start3A_136, %dma_start3A_142] : memref<2x100xi32, #tpu.memory_space<vmem>> -> memref<1x100xi32, #tpu.memory_space<vmem>>
      %dma_start3A_144 = tpu.memref_squeeze %dma_start3A_143 : memref<1x100xi32, #tpu.memory_space<vmem>> -> memref<100xi32, #tpu.memory_space<vmem>>
      %dma_start3A_145 = arith.constant 0 : i32
      %dma_start3A_146 = arith.constant 0 : i32
      %dma_start3A_147 = tpu.memref_slice %arg3[%dma_start3A_145, %dma_start3A_146] : memref<1000000x64xf32, #tpu.memory_space<hbm>> -> memref<1000000x64xf32, #tpu.memory_space<hbm>>
      tpu.enqueue_indirect_dma source(%dma_start3A_147 : memref<1000000x64xf32, #tpu.memory_space<hbm>>) target(%dma_start3A_141 : memref<100x64xf32, #tpu.memory_space<vmem>>) offsets(%dma_start3A_144 : memref<100xi32, #tpu.memory_space<vmem>>) semaphore(%arg24 : memref<!tpu.dma_semaphore, #tpu.memory_space<semaphore_mem>>) {add = true}
      %dma_start3A_148 = arith.constant 1 : i32
      %dma_start3A_149 = arith.constant 1 : i32
      %dma_start3A_150 = arith.constant 0 : i32
      %dma_start3A_151 = arith.constant 0 : i32
      %dma_start3A_152 = tpu.memref_slice %arg7[%dma_start3A_149, %dma_start3A_150, %dma_start3A_151] : memref<2x100x64xf32, #tpu.memory_space<vmem>> -> memref<1x100x64xf32, #tpu.memory_space<vmem>>
      %dma_start3A_153 = tpu.memref_squeeze %dma_start3A_152 : memref<1x100x64xf32, #tpu.memory_space<vmem>> -> memref<100x64xf32, #tpu.memory_space<vmem>>
      %dma_start3A_154 = arith.constant 0 : i32
      %dma_start3A_155 = tpu.memref_slice %arg11[%dma_start3A_148, %dma_start3A_154] : memref<2x100xi32, #tpu.memory_space<vmem>> -> memref<1x100xi32, #tpu.memory_space<vmem>>
      %dma_start3A_156 = tpu.memref_squeeze %dma_start3A_155 : memref<1x100xi32, #tpu.memory_space<vmem>> -> memref<100xi32, #tpu.memory_space<vmem>>
      %dma_start3A_157 = arith.constant 0 : i32
      %dma_start3A_158 = arith.constant 0 : i32
      %dma_start3A_159 = tpu.memref_slice %arg3[%dma_start3A_157, %dma_start3A_158] : memref<1000000x64xf32, #tpu.memory_space<hbm>> -> memref<1000000x64xf32, #tpu.memory_space<hbm>>
      tpu.enqueue_indirect_dma source(%dma_start3A_159 : memref<1000000x64xf32, #tpu.memory_space<hbm>>) target(%dma_start3A_153 : memref<100x64xf32, #tpu.memory_space<vmem>>) offsets(%dma_start3A_156 : memref<100xi32, #tpu.memory_space<vmem>>) semaphore(%arg24 : memref<!tpu.dma_semaphore, #tpu.memory_space<semaphore_mem>>) {add = true}
      %add3A_160 = arith.constant 2 : i32
      %add3A_161 = arith.addi %add3A_129, %add3A_160 : i32
      %lt3A_162 = arith.constant 128 : i32
      %lt3A_163 = arith.cmpi slt, %add3A_161, %lt3A_162 : i32
      %convert_element_type3A_164 = arith.extui %lt3A_163 : i1 to i32
      %cond3A_165 = arith.constant 0 : i32
      %cond3A_166 = arith.cmpi ne, %convert_element_type3A_164, %cond3A_165 : i32
      scf.if %cond3A_166 {
        %ge3A = arith.constant 2 : i32
        %ge3A_348 = arith.cmpi sge, %add3A_129, %ge3A : i32
        %convert_element_type3A_349 = arith.extui %ge3A_348 : i1 to i32
        %cond3A_350 = arith.constant 0 : i32
        %cond3A_351 = arith.cmpi ne, %convert_element_type3A_349, %cond3A_350 : i32
        scf.if %cond3A_351 {
          %dma_wait3A_361 = arith.constant 0 : i32
          %dma_wait3A_362 = arith.constant 0 : i32
          %dma_wait3A_363 = arith.constant 0 : i32
          %dma_wait3A_364 = tpu.memref_slice %arg5[%dma_wait3A_361, %dma_wait3A_362, %dma_wait3A_363] : memref<8192x100x64xf32, #tpu.memory_space<hbm>> -> memref<2x100x64xf32, #tpu.memory_space<hbm>>
          %dma_wait3A_365 = arith.constant 0 : i32
          %dma_wait3A_366 = arith.constant 0 : i32
          %dma_wait3A_367 = arith.constant 0 : i32
          %dma_wait3A_368 = tpu.memref_slice %arg5[%dma_wait3A_365, %dma_wait3A_366, %dma_wait3A_367] : memref<8192x100x64xf32, #tpu.memory_space<hbm>> -> memref<2x100x64xf32, #tpu.memory_space<hbm>>
          tpu.wait_dma2 semaphore(%arg30 : memref<!tpu.dma_semaphore, #tpu.memory_space<semaphore_mem>>) src(%arg9 : memref<2x100x64xf32, #tpu.memory_space<vmem>>) dst(%dma_wait3A_368 : memref<2x100x64xf32, #tpu.memory_space<hbm>>)
        } else {
        }
        %add3A_352 = arith.constant 2 : i32
        %add3A_353 = arith.addi %add3A_129, %add3A_352 : i32
        tpu.enqueue_dma source(%arg14 : memref<2x100x64xf32, #tpu.memory_space<vmem_shared>>) target(%arg9 : memref<2x100x64xf32, #tpu.memory_space<vmem>>) target_semaphore(%arg22 : memref<!tpu.dma_semaphore, #tpu.memory_space<semaphore_mem>>)
        %mul3A_354 = arith.constant 2 : i32
        %mul3A_355 = arith.muli %add3A_353, %mul3A_354 : i32
        %add3A_356 = arith.addi %mul3A_2, %mul3A_355 : i32
        %dma_start3A_357 = arith.constant 0 : i32
        %dma_start3A_358 = tpu.memref_slice %arg2[%add3A_356, %dma_start3A_357] : memref<8192x100xi32, #tpu.memory_space<hbm>> -> memref<2x100xi32, #tpu.memory_space<hbm>>
        %dma_start3A_359 = arith.constant 0 : i32
        %dma_start3A_360 = tpu.memref_slice %arg2[%add3A_356, %dma_start3A_359] : memref<8192x100xi32, #tpu.memory_space<hbm>> -> memref<2x100xi32, #tpu.memory_space<hbm>>
        tpu.enqueue_dma source(%dma_start3A_360 : memref<2x100xi32, #tpu.memory_space<hbm>>) target(%arg13 : memref<2x100xi32, #tpu.memory_space<vmem>>) target_semaphore(%arg18 : memref<!tpu.dma_semaphore, #tpu.memory_space<semaphore_mem>>)
      } else {
      }
      %dma_wait3A_167 = arith.constant 0 : i32
      %dma_wait3A_168 = arith.constant 0 : i32
      %dma_wait3A_169 = arith.constant 0 : i32
      %dma_wait3A_170 = arith.constant 0 : i32
      %dma_wait3A_171 = tpu.memref_slice %arg7[%dma_wait3A_168, %dma_wait3A_169, %dma_wait3A_170] : memref<2x100x64xf32, #tpu.memory_space<vmem>> -> memref<1x100x64xf32, #tpu.memory_space<vmem>>
      %dma_wait3A_172 = tpu.memref_squeeze %dma_wait3A_171 : memref<1x100x64xf32, #tpu.memory_space<vmem>> -> memref<100x64xf32, #tpu.memory_space<vmem>>
      %dma_wait3A_173 = arith.constant 0 : i32
      %dma_wait3A_174 = tpu.memref_slice %arg11[%dma_wait3A_167, %dma_wait3A_173] : memref<2x100xi32, #tpu.memory_space<vmem>> -> memref<1x100xi32, #tpu.memory_space<vmem>>
      %dma_wait3A_175 = tpu.memref_squeeze %dma_wait3A_174 : memref<1x100xi32, #tpu.memory_space<vmem>> -> memref<100xi32, #tpu.memory_space<vmem>>
      %dma_wait3A_176 = arith.constant 0 : i32
      %dma_wait3A_177 = arith.constant 0 : i32
      %dma_wait3A_178 = tpu.memref_slice %arg3[%dma_wait3A_176, %dma_wait3A_177] : memref<1000000x64xf32, #tpu.memory_space<hbm>> -> memref<1000000x64xf32, #tpu.memory_space<hbm>>
      tpu.wait_indirect_dma semaphore(%arg24 : memref<!tpu.dma_semaphore, #tpu.memory_space<semaphore_mem>>) src(%dma_wait3A_178 : memref<1000000x64xf32, #tpu.memory_space<hbm>>) dst(%dma_wait3A_172 : memref<100x64xf32, #tpu.memory_space<vmem>>)
      %dma_wait3A_179 = arith.constant 1 : i32
      %dma_wait3A_180 = arith.constant 1 : i32
      %dma_wait3A_181 = arith.constant 0 : i32
      %dma_wait3A_182 = arith.constant 0 : i32
      %dma_wait3A_183 = tpu.memref_slice %arg7[%dma_wait3A_180, %dma_wait3A_181, %dma_wait3A_182] : memref<2x100x64xf32, #tpu.memory_space<vmem>> -> memref<1x100x64xf32, #tpu.memory_space<vmem>>
      %dma_wait3A_184 = tpu.memref_squeeze %dma_wait3A_183 : memref<1x100x64xf32, #tpu.memory_space<vmem>> -> memref<100x64xf32, #tpu.memory_space<vmem>>
      %dma_wait3A_185 = arith.constant 0 : i32
      %dma_wait3A_186 = tpu.memref_slice %arg11[%dma_wait3A_179, %dma_wait3A_185] : memref<2x100xi32, #tpu.memory_space<vmem>> -> memref<1x100xi32, #tpu.memory_space<vmem>>
      %dma_wait3A_187 = tpu.memref_squeeze %dma_wait3A_186 : memref<1x100xi32, #tpu.memory_space<vmem>> -> memref<100xi32, #tpu.memory_space<vmem>>
      %dma_wait3A_188 = arith.constant 0 : i32
      %dma_wait3A_189 = arith.constant 0 : i32
      %dma_wait3A_190 = tpu.memref_slice %arg3[%dma_wait3A_188, %dma_wait3A_189] : memref<1000000x64xf32, #tpu.memory_space<hbm>> -> memref<1000000x64xf32, #tpu.memory_space<hbm>>
      tpu.wait_indirect_dma semaphore(%arg24 : memref<!tpu.dma_semaphore, #tpu.memory_space<semaphore_mem>>) src(%dma_wait3A_190 : memref<1000000x64xf32, #tpu.memory_space<hbm>>) dst(%dma_wait3A_184 : memref<100x64xf32, #tpu.memory_space<vmem>>)
      %mul3A_191 = arith.constant 2 : i32
      %mul3A_192 = arith.muli %add3A_129, %mul3A_191 : i32
      %add3A_193 = arith.addi %mul3A_2, %mul3A_192 : i32
      %dma_start3A_194 = arith.constant 0 : i32
      %dma_start3A_195 = arith.constant 0 : i32
      %dma_start3A_196 = tpu.memref_slice %arg5[%add3A_193, %dma_start3A_194, %dma_start3A_195] : memref<8192x100x64xf32, #tpu.memory_space<hbm>> -> memref<2x100x64xf32, #tpu.memory_space<hbm>>
      %dma_start3A_197 = arith.constant 0 : i32
      %dma_start3A_198 = arith.constant 0 : i32
      %dma_start3A_199 = tpu.memref_slice %arg5[%add3A_193, %dma_start3A_197, %dma_start3A_198] : memref<8192x100x64xf32, #tpu.memory_space<hbm>> -> memref<2x100x64xf32, #tpu.memory_space<hbm>>
      tpu.enqueue_dma source(%arg7 : memref<2x100x64xf32, #tpu.memory_space<vmem>>) target(%dma_start3A_199 : memref<2x100x64xf32, #tpu.memory_space<hbm>>) target_semaphore(%arg28 : memref<!tpu.dma_semaphore, #tpu.memory_space<semaphore_mem>>)
      %mul3A_200 = arith.constant 4 : i32
      %mul3A_201 = arith.muli %scan3A_52, %mul3A_200 : i32
      %add3A_202 = arith.constant 2 : i32
      %add3A_203 = arith.addi %mul3A_201, %add3A_202 : i32
      %dma_wait3A_204 = arith.constant 0 : i32
      %dma_wait3A_205 = arith.constant 0 : i32
      %dma_wait3A_206 = tpu.memref_slice %arg2[%dma_wait3A_204, %dma_wait3A_205] : memref<8192x100xi32, #tpu.memory_space<hbm>> -> memref<2x100xi32, #tpu.memory_space<hbm>>
      %dma_wait3A_207 = arith.constant 0 : i32
      %dma_wait3A_208 = arith.constant 0 : i32
      %dma_wait3A_209 = tpu.memref_slice %arg2[%dma_wait3A_207, %dma_wait3A_208] : memref<8192x100xi32, #tpu.memory_space<hbm>> -> memref<2x100xi32, #tpu.memory_space<hbm>>
      tpu.wait_dma2 semaphore(%arg17 : memref<!tpu.dma_semaphore, #tpu.memory_space<semaphore_mem>>) src(%dma_wait3A_209 : memref<2x100xi32, #tpu.memory_space<hbm>>) dst(%arg12 : memref<2x100xi32, #tpu.memory_space<vmem>>)
      tpu.wait_dma2 semaphore(%arg21 : memref<!tpu.dma_semaphore, #tpu.memory_space<semaphore_mem>>) src(%arg14 : memref<2x100x64xf32, #tpu.memory_space<vmem_shared>>) dst(%arg8 : memref<2x100x64xf32, #tpu.memory_space<vmem>>)
      %dma_start3A_210 = arith.constant 0 : i32
      %dma_start3A_211 = arith.constant 0 : i32
      %dma_start3A_212 = arith.constant 0 : i32
      %dma_start3A_213 = arith.constant 0 : i32
      %dma_start3A_214 = tpu.memref_slice %arg8[%dma_start3A_211, %dma_start3A_212, %dma_start3A_213] : memref<2x100x64xf32, #tpu.memory_space<vmem>> -> memref<1x100x64xf32, #tpu.memory_space<vmem>>
      %dma_start3A_215 = tpu.memref_squeeze %dma_start3A_214 : memref<1x100x64xf32, #tpu.memory_space<vmem>> -> memref<100x64xf32, #tpu.memory_space<vmem>>
      %dma_start3A_216 = arith.constant 0 : i32
      %dma_start3A_217 = tpu.memref_slice %arg12[%dma_start3A_210, %dma_start3A_216] : memref<2x100xi32, #tpu.memory_space<vmem>> -> memref<1x100xi32, #tpu.memory_space<vmem>>
      %dma_start3A_218 = tpu.memref_squeeze %dma_start3A_217 : memref<1x100xi32, #tpu.memory_space<vmem>> -> memref<100xi32, #tpu.memory_space<vmem>>
      %dma_start3A_219 = arith.constant 0 : i32
      %dma_start3A_220 = arith.constant 0 : i32
      %dma_start3A_221 = tpu.memref_slice %arg3[%dma_start3A_219, %dma_start3A_220] : memref<1000000x64xf32, #tpu.memory_space<hbm>> -> memref<1000000x64xf32, #tpu.memory_space<hbm>>
      tpu.enqueue_indirect_dma source(%dma_start3A_221 : memref<1000000x64xf32, #tpu.memory_space<hbm>>) target(%dma_start3A_215 : memref<100x64xf32, #tpu.memory_space<vmem>>) offsets(%dma_start3A_218 : memref<100xi32, #tpu.memory_space<vmem>>) semaphore(%arg25 : memref<!tpu.dma_semaphore, #tpu.memory_space<semaphore_mem>>) {add = true}
      %dma_start3A_222 = arith.constant 1 : i32
      %dma_start3A_223 = arith.constant 1 : i32
      %dma_start3A_224 = arith.constant 0 : i32
      %dma_start3A_225 = arith.constant 0 : i32
      %dma_start3A_226 = tpu.memref_slice %arg8[%dma_start3A_223, %dma_start3A_224, %dma_start3A_225] : memref<2x100x64xf32, #tpu.memory_space<vmem>> -> memref<1x100x64xf32, #tpu.memory_space<vmem>>
      %dma_start3A_227 = tpu.memref_squeeze %dma_start3A_226 : memref<1x100x64xf32, #tpu.memory_space<vmem>> -> memref<100x64xf32, #tpu.memory_space<vmem>>
      %dma_start3A_228 = arith.constant 0 : i32
      %dma_start3A_229 = tpu.memref_slice %arg12[%dma_start3A_222, %dma_start3A_228] : memref<2x100xi32, #tpu.memory_space<vmem>> -> memref<1x100xi32, #tpu.memory_space<vmem>>
      %dma_start3A_230 = tpu.memref_squeeze %dma_start3A_229 : memref<1x100xi32, #tpu.memory_space<vmem>> -> memref<100xi32, #tpu.memory_space<vmem>>
      %dma_start3A_231 = arith.constant 0 : i32
      %dma_start3A_232 = arith.constant 0 : i32
      %dma_start3A_233 = tpu.memref_slice %arg3[%dma_start3A_231, %dma_start3A_232] : memref<1000000x64xf32, #tpu.memory_space<hbm>> -> memref<1000000x64xf32, #tpu.memory_space<hbm>>
      tpu.enqueue_indirect_dma source(%dma_start3A_233 : memref<1000000x64xf32, #tpu.memory_space<hbm>>) target(%dma_start3A_227 : memref<100x64xf32, #tpu.memory_space<vmem>>) offsets(%dma_start3A_230 : memref<100xi32, #tpu.memory_space<vmem>>) semaphore(%arg25 : memref<!tpu.dma_semaphore, #tpu.memory_space<semaphore_mem>>) {add = true}
      %add3A_234 = arith.constant 2 : i32
      %add3A_235 = arith.addi %add3A_203, %add3A_234 : i32
      %lt3A_236 = arith.constant 128 : i32
      %lt3A_237 = arith.cmpi slt, %add3A_235, %lt3A_236 : i32
      %convert_element_type3A_238 = arith.extui %lt3A_237 : i1 to i32
      %cond3A_239 = arith.constant 0 : i32
      %cond3A_240 = arith.cmpi ne, %convert_element_type3A_238, %cond3A_239 : i32
      scf.if %cond3A_240 {
        %ge3A = arith.constant 2 : i32
        %ge3A_348 = arith.cmpi sge, %add3A_203, %ge3A : i32
        %convert_element_type3A_349 = arith.extui %ge3A_348 : i1 to i32
        %cond3A_350 = arith.constant 0 : i32
        %cond3A_351 = arith.cmpi ne, %convert_element_type3A_349, %cond3A_350 : i32
        scf.if %cond3A_351 {
          %dma_wait3A_361 = arith.constant 0 : i32
          %dma_wait3A_362 = arith.constant 0 : i32
          %dma_wait3A_363 = arith.constant 0 : i32
          %dma_wait3A_364 = tpu.memref_slice %arg5[%dma_wait3A_361, %dma_wait3A_362, %dma_wait3A_363] : memref<8192x100x64xf32, #tpu.memory_space<hbm>> -> memref<2x100x64xf32, #tpu.memory_space<hbm>>
          %dma_wait3A_365 = arith.constant 0 : i32
          %dma_wait3A_366 = arith.constant 0 : i32
          %dma_wait3A_367 = arith.constant 0 : i32
          %dma_wait3A_368 = tpu.memref_slice %arg5[%dma_wait3A_365, %dma_wait3A_366, %dma_wait3A_367] : memref<8192x100x64xf32, #tpu.memory_space<hbm>> -> memref<2x100x64xf32, #tpu.memory_space<hbm>>
          tpu.wait_dma2 semaphore(%arg27 : memref<!tpu.dma_semaphore, #tpu.memory_space<semaphore_mem>>) src(%arg6 : memref<2x100x64xf32, #tpu.memory_space<vmem>>) dst(%dma_wait3A_368 : memref<2x100x64xf32, #tpu.memory_space<hbm>>)
        } else {
        }
        %add3A_352 = arith.constant 2 : i32
        %add3A_353 = arith.addi %add3A_203, %add3A_352 : i32
        tpu.enqueue_dma source(%arg14 : memref<2x100x64xf32, #tpu.memory_space<vmem_shared>>) target(%arg6 : memref<2x100x64xf32, #tpu.memory_space<vmem>>) target_semaphore(%arg19 : memref<!tpu.dma_semaphore, #tpu.memory_space<semaphore_mem>>)
        %mul3A_354 = arith.constant 2 : i32
        %mul3A_355 = arith.muli %add3A_353, %mul3A_354 : i32
        %add3A_356 = arith.addi %mul3A_2, %mul3A_355 : i32
        %dma_start3A_357 = arith.constant 0 : i32
        %dma_start3A_358 = tpu.memref_slice %arg2[%add3A_356, %dma_start3A_357] : memref<8192x100xi32, #tpu.memory_space<hbm>> -> memref<2x100xi32, #tpu.memory_space<hbm>>
        %dma_start3A_359 = arith.constant 0 : i32
        %dma_start3A_360 = tpu.memref_slice %arg2[%add3A_356, %dma_start3A_359] : memref<8192x100xi32, #tpu.memory_space<hbm>> -> memref<2x100xi32, #tpu.memory_space<hbm>>
        tpu.enqueue_dma source(%dma_start3A_360 : memref<2x100xi32, #tpu.memory_space<hbm>>) target(%arg10 : memref<2x100xi32, #tpu.memory_space<vmem>>) target_semaphore(%arg15 : memref<!tpu.dma_semaphore, #tpu.memory_space<semaphore_mem>>)
      } else {
      }
      %dma_wait3A_241 = arith.constant 0 : i32
      %dma_wait3A_242 = arith.constant 0 : i32
      %dma_wait3A_243 = arith.constant 0 : i32
      %dma_wait3A_244 = arith.constant 0 : i32
      %dma_wait3A_245 = tpu.memref_slice %arg8[%dma_wait3A_242, %dma_wait3A_243, %dma_wait3A_244] : memref<2x100x64xf32, #tpu.memory_space<vmem>> -> memref<1x100x64xf32, #tpu.memory_space<vmem>>
      %dma_wait3A_246 = tpu.memref_squeeze %dma_wait3A_245 : memref<1x100x64xf32, #tpu.memory_space<vmem>> -> memref<100x64xf32, #tpu.memory_space<vmem>>
      %dma_wait3A_247 = arith.constant 0 : i32
      %dma_wait3A_248 = tpu.memref_slice %arg12[%dma_wait3A_241, %dma_wait3A_247] : memref<2x100xi32, #tpu.memory_space<vmem>> -> memref<1x100xi32, #tpu.memory_space<vmem>>
      %dma_wait3A_249 = tpu.memref_squeeze %dma_wait3A_248 : memref<1x100xi32, #tpu.memory_space<vmem>> -> memref<100xi32, #tpu.memory_space<vmem>>
      %dma_wait3A_250 = arith.constant 0 : i32
      %dma_wait3A_251 = arith.constant 0 : i32
      %dma_wait3A_252 = tpu.memref_slice %arg3[%dma_wait3A_250, %dma_wait3A_251] : memref<1000000x64xf32, #tpu.memory_space<hbm>> -> memref<1000000x64xf32, #tpu.memory_space<hbm>>
      tpu.wait_indirect_dma semaphore(%arg25 : memref<!tpu.dma_semaphore, #tpu.memory_space<semaphore_mem>>) src(%dma_wait3A_252 : memref<1000000x64xf32, #tpu.memory_space<hbm>>) dst(%dma_wait3A_246 : memref<100x64xf32, #tpu.memory_space<vmem>>)
      %dma_wait3A_253 = arith.constant 1 : i32
      %dma_wait3A_254 = arith.constant 1 : i32
      %dma_wait3A_255 = arith.constant 0 : i32
      %dma_wait3A_256 = arith.constant 0 : i32
      %dma_wait3A_257 = tpu.memref_slice %arg8[%dma_wait3A_254, %dma_wait3A_255, %dma_wait3A_256] : memref<2x100x64xf32, #tpu.memory_space<vmem>> -> memref<1x100x64xf32, #tpu.memory_space<vmem>>
      %dma_wait3A_258 = tpu.memref_squeeze %dma_wait3A_257 : memref<1x100x64xf32, #tpu.memory_space<vmem>> -> memref<100x64xf32, #tpu.memory_space<vmem>>
      %dma_wait3A_259 = arith.constant 0 : i32
      %dma_wait3A_260 = tpu.memref_slice %arg12[%dma_wait3A_253, %dma_wait3A_259] : memref<2x100xi32, #tpu.memory_space<vmem>> -> memref<1x100xi32, #tpu.memory_space<vmem>>
      %dma_wait3A_261 = tpu.memref_squeeze %dma_wait3A_260 : memref<1x100xi32, #tpu.memory_space<vmem>> -> memref<100xi32, #tpu.memory_space<vmem>>
      %dma_wait3A_262 = arith.constant 0 : i32
      %dma_wait3A_263 = arith.constant 0 : i32
      %dma_wait3A_264 = tpu.memref_slice %arg3[%dma_wait3A_262, %dma_wait3A_263] : memref<1000000x64xf32, #tpu.memory_space<hbm>> -> memref<1000000x64xf32, #tpu.memory_space<hbm>>
      tpu.wait_indirect_dma semaphore(%arg25 : memref<!tpu.dma_semaphore, #tpu.memory_space<semaphore_mem>>) src(%dma_wait3A_264 : memref<1000000x64xf32, #tpu.memory_space<hbm>>) dst(%dma_wait3A_258 : memref<100x64xf32, #tpu.memory_space<vmem>>)
      %mul3A_265 = arith.constant 2 : i32
      %mul3A_266 = arith.muli %add3A_203, %mul3A_265 : i32
      %add3A_267 = arith.addi %mul3A_2, %mul3A_266 : i32
      %dma_start3A_268 = arith.constant 0 : i32
      %dma_start3A_269 = arith.constant 0 : i32
      %dma_start3A_270 = tpu.memref_slice %arg5[%add3A_267, %dma_start3A_268, %dma_start3A_269] : memref<8192x100x64xf32, #tpu.memory_space<hbm>> -> memref<2x100x64xf32, #tpu.memory_space<hbm>>
      %dma_start3A_271 = arith.constant 0 : i32
      %dma_start3A_272 = arith.constant 0 : i32
      %dma_start3A_273 = tpu.memref_slice %arg5[%add3A_267, %dma_start3A_271, %dma_start3A_272] : memref<8192x100x64xf32, #tpu.memory_space<hbm>> -> memref<2x100x64xf32, #tpu.memory_space<hbm>>
      tpu.enqueue_dma source(%arg8 : memref<2x100x64xf32, #tpu.memory_space<vmem>>) target(%dma_start3A_273 : memref<2x100x64xf32, #tpu.memory_space<hbm>>) target_semaphore(%arg29 : memref<!tpu.dma_semaphore, #tpu.memory_space<semaphore_mem>>)
      %mul3A_274 = arith.constant 4 : i32
      %mul3A_275 = arith.muli %scan3A_52, %mul3A_274 : i32
      %add3A_276 = arith.constant 3 : i32
      %add3A_277 = arith.addi %mul3A_275, %add3A_276 : i32
      %dma_wait3A_278 = arith.constant 0 : i32
      %dma_wait3A_279 = arith.constant 0 : i32
      %dma_wait3A_280 = tpu.memref_slice %arg2[%dma_wait3A_278, %dma_wait3A_279] : memref<8192x100xi32, #tpu.memory_space<hbm>> -> memref<2x100xi32, #tpu.memory_space<hbm>>
      %dma_wait3A_281 = arith.constant 0 : i32
      %dma_wait3A_282 = arith.constant 0 : i32
      %dma_wait3A_283 = tpu.memref_slice %arg2[%dma_wait3A_281, %dma_wait3A_282] : memref<8192x100xi32, #tpu.memory_space<hbm>> -> memref<2x100xi32, #tpu.memory_space<hbm>>
      tpu.wait_dma2 semaphore(%arg18 : memref<!tpu.dma_semaphore, #tpu.memory_space<semaphore_mem>>) src(%dma_wait3A_283 : memref<2x100xi32, #tpu.memory_space<hbm>>) dst(%arg13 : memref<2x100xi32, #tpu.memory_space<vmem>>)
      tpu.wait_dma2 semaphore(%arg22 : memref<!tpu.dma_semaphore, #tpu.memory_space<semaphore_mem>>) src(%arg14 : memref<2x100x64xf32, #tpu.memory_space<vmem_shared>>) dst(%arg9 : memref<2x100x64xf32, #tpu.memory_space<vmem>>)
      %dma_start3A_284 = arith.constant 0 : i32
      %dma_start3A_285 = arith.constant 0 : i32
      %dma_start3A_286 = arith.constant 0 : i32
      %dma_start3A_287 = arith.constant 0 : i32
      %dma_start3A_288 = tpu.memref_slice %arg9[%dma_start3A_285, %dma_start3A_286, %dma_start3A_287] : memref<2x100x64xf32, #tpu.memory_space<vmem>> -> memref<1x100x64xf32, #tpu.memory_space<vmem>>
      %dma_start3A_289 = tpu.memref_squeeze %dma_start3A_288 : memref<1x100x64xf32, #tpu.memory_space<vmem>> -> memref<100x64xf32, #tpu.memory_space<vmem>>
      %dma_start3A_290 = arith.constant 0 : i32
      %dma_start3A_291 = tpu.memref_slice %arg13[%dma_start3A_284, %dma_start3A_290] : memref<2x100xi32, #tpu.memory_space<vmem>> -> memref<1x100xi32, #tpu.memory_space<vmem>>
      %dma_start3A_292 = tpu.memref_squeeze %dma_start3A_291 : memref<1x100xi32, #tpu.memory_space<vmem>> -> memref<100xi32, #tpu.memory_space<vmem>>
      %dma_start3A_293 = arith.constant 0 : i32
      %dma_start3A_294 = arith.constant 0 : i32
      %dma_start3A_295 = tpu.memref_slice %arg3[%dma_start3A_293, %dma_start3A_294] : memref<1000000x64xf32, #tpu.memory_space<hbm>> -> memref<1000000x64xf32, #tpu.memory_space<hbm>>
      tpu.enqueue_indirect_dma source(%dma_start3A_295 : memref<1000000x64xf32, #tpu.memory_space<hbm>>) target(%dma_start3A_289 : memref<100x64xf32, #tpu.memory_space<vmem>>) offsets(%dma_start3A_292 : memref<100xi32, #tpu.memory_space<vmem>>) semaphore(%arg26 : memref<!tpu.dma_semaphore, #tpu.memory_space<semaphore_mem>>) {add = true}
      %dma_start3A_296 = arith.constant 1 : i32
      %dma_start3A_297 = arith.constant 1 : i32
      %dma_start3A_298 = arith.constant 0 : i32
      %dma_start3A_299 = arith.constant 0 : i32
      %dma_start3A_300 = tpu.memref_slice %arg9[%dma_start3A_297, %dma_start3A_298, %dma_start3A_299] : memref<2x100x64xf32, #tpu.memory_space<vmem>> -> memref<1x100x64xf32, #tpu.memory_space<vmem>>
      %dma_start3A_301 = tpu.memref_squeeze %dma_start3A_300 : memref<1x100x64xf32, #tpu.memory_space<vmem>> -> memref<100x64xf32, #tpu.memory_space<vmem>>
      %dma_start3A_302 = arith.constant 0 : i32
      %dma_start3A_303 = tpu.memref_slice %arg13[%dma_start3A_296, %dma_start3A_302] : memref<2x100xi32, #tpu.memory_space<vmem>> -> memref<1x100xi32, #tpu.memory_space<vmem>>
      %dma_start3A_304 = tpu.memref_squeeze %dma_start3A_303 : memref<1x100xi32, #tpu.memory_space<vmem>> -> memref<100xi32, #tpu.memory_space<vmem>>
      %dma_start3A_305 = arith.constant 0 : i32
      %dma_start3A_306 = arith.constant 0 : i32
      %dma_start3A_307 = tpu.memref_slice %arg3[%dma_start3A_305, %dma_start3A_306] : memref<1000000x64xf32, #tpu.memory_space<hbm>> -> memref<1000000x64xf32, #tpu.memory_space<hbm>>
      tpu.enqueue_indirect_dma source(%dma_start3A_307 : memref<1000000x64xf32, #tpu.memory_space<hbm>>) target(%dma_start3A_301 : memref<100x64xf32, #tpu.memory_space<vmem>>) offsets(%dma_start3A_304 : memref<100xi32, #tpu.memory_space<vmem>>) semaphore(%arg26 : memref<!tpu.dma_semaphore, #tpu.memory_space<semaphore_mem>>) {add = true}
      %add3A_308 = arith.constant 2 : i32
      %add3A_309 = arith.addi %add3A_277, %add3A_308 : i32
      %lt3A_310 = arith.constant 128 : i32
      %lt3A_311 = arith.cmpi slt, %add3A_309, %lt3A_310 : i32
      %convert_element_type3A_312 = arith.extui %lt3A_311 : i1 to i32
      %cond3A_313 = arith.constant 0 : i32
      %cond3A_314 = arith.cmpi ne, %convert_element_type3A_312, %cond3A_313 : i32
      scf.if %cond3A_314 {
        %ge3A = arith.constant 2 : i32
        %ge3A_348 = arith.cmpi sge, %add3A_277, %ge3A : i32
        %convert_element_type3A_349 = arith.extui %ge3A_348 : i1 to i32
        %cond3A_350 = arith.constant 0 : i32
        %cond3A_351 = arith.cmpi ne, %convert_element_type3A_349, %cond3A_350 : i32
        scf.if %cond3A_351 {
          %dma_wait3A_361 = arith.constant 0 : i32
          %dma_wait3A_362 = arith.constant 0 : i32
          %dma_wait3A_363 = arith.constant 0 : i32
          %dma_wait3A_364 = tpu.memref_slice %arg5[%dma_wait3A_361, %dma_wait3A_362, %dma_wait3A_363] : memref<8192x100x64xf32, #tpu.memory_space<hbm>> -> memref<2x100x64xf32, #tpu.memory_space<hbm>>
          %dma_wait3A_365 = arith.constant 0 : i32
          %dma_wait3A_366 = arith.constant 0 : i32
          %dma_wait3A_367 = arith.constant 0 : i32
          %dma_wait3A_368 = tpu.memref_slice %arg5[%dma_wait3A_365, %dma_wait3A_366, %dma_wait3A_367] : memref<8192x100x64xf32, #tpu.memory_space<hbm>> -> memref<2x100x64xf32, #tpu.memory_space<hbm>>
          tpu.wait_dma2 semaphore(%arg28 : memref<!tpu.dma_semaphore, #tpu.memory_space<semaphore_mem>>) src(%arg7 : memref<2x100x64xf32, #tpu.memory_space<vmem>>) dst(%dma_wait3A_368 : memref<2x100x64xf32, #tpu.memory_space<hbm>>)
        } else {
        }
        %add3A_352 = arith.constant 2 : i32
        %add3A_353 = arith.addi %add3A_277, %add3A_352 : i32
        tpu.enqueue_dma source(%arg14 : memref<2x100x64xf32, #tpu.memory_space<vmem_shared>>) target(%arg7 : memref<2x100x64xf32, #tpu.memory_space<vmem>>) target_semaphore(%arg20 : memref<!tpu.dma_semaphore, #tpu.memory_space<semaphore_mem>>)
        %mul3A_354 = arith.constant 2 : i32
        %mul3A_355 = arith.muli %add3A_353, %mul3A_354 : i32
        %add3A_356 = arith.addi %mul3A_2, %mul3A_355 : i32
        %dma_start3A_357 = arith.constant 0 : i32
        %dma_start3A_358 = tpu.memref_slice %arg2[%add3A_356, %dma_start3A_357] : memref<8192x100xi32, #tpu.memory_space<hbm>> -> memref<2x100xi32, #tpu.memory_space<hbm>>
        %dma_start3A_359 = arith.constant 0 : i32
        %dma_start3A_360 = tpu.memref_slice %arg2[%add3A_356, %dma_start3A_359] : memref<8192x100xi32, #tpu.memory_space<hbm>> -> memref<2x100xi32, #tpu.memory_space<hbm>>
        tpu.enqueue_dma source(%dma_start3A_360 : memref<2x100xi32, #tpu.memory_space<hbm>>) target(%arg11 : memref<2x100xi32, #tpu.memory_space<vmem>>) target_semaphore(%arg16 : memref<!tpu.dma_semaphore, #tpu.memory_space<semaphore_mem>>)
      } else {
      }
      %dma_wait3A_315 = arith.constant 0 : i32
      %dma_wait3A_316 = arith.constant 0 : i32
      %dma_wait3A_317 = arith.constant 0 : i32
      %dma_wait3A_318 = arith.constant 0 : i32
      %dma_wait3A_319 = tpu.memref_slice %arg9[%dma_wait3A_316, %dma_wait3A_317, %dma_wait3A_318] : memref<2x100x64xf32, #tpu.memory_space<vmem>> -> memref<1x100x64xf32, #tpu.memory_space<vmem>>
      %dma_wait3A_320 = tpu.memref_squeeze %dma_wait3A_319 : memref<1x100x64xf32, #tpu.memory_space<vmem>> -> memref<100x64xf32, #tpu.memory_space<vmem>>
      %dma_wait3A_321 = arith.constant 0 : i32
      %dma_wait3A_322 = tpu.memref_slice %arg13[%dma_wait3A_315, %dma_wait3A_321] : memref<2x100xi32, #tpu.memory_space<vmem>> -> memref<1x100xi32, #tpu.memory_space<vmem>>
      %dma_wait3A_323 = tpu.memref_squeeze %dma_wait3A_322 : memref<1x100xi32, #tpu.memory_space<vmem>> -> memref<100xi32, #tpu.memory_space<vmem>>
      %dma_wait3A_324 = arith.constant 0 : i32
      %dma_wait3A_325 = arith.constant 0 : i32
      %dma_wait3A_326 = tpu.memref_slice %arg3[%dma_wait3A_324, %dma_wait3A_325] : memref<1000000x64xf32, #tpu.memory_space<hbm>> -> memref<1000000x64xf32, #tpu.memory_space<hbm>>
      tpu.wait_indirect_dma semaphore(%arg26 : memref<!tpu.dma_semaphore, #tpu.memory_space<semaphore_mem>>) src(%dma_wait3A_326 : memref<1000000x64xf32, #tpu.memory_space<hbm>>) dst(%dma_wait3A_320 : memref<100x64xf32, #tpu.memory_space<vmem>>)
      %dma_wait3A_327 = arith.constant 1 : i32
      %dma_wait3A_328 = arith.constant 1 : i32
      %dma_wait3A_329 = arith.constant 0 : i32
      %dma_wait3A_330 = arith.constant 0 : i32
      %dma_wait3A_331 = tpu.memref_slice %arg9[%dma_wait3A_328, %dma_wait3A_329, %dma_wait3A_330] : memref<2x100x64xf32, #tpu.memory_space<vmem>> -> memref<1x100x64xf32, #tpu.memory_space<vmem>>
      %dma_wait3A_332 = tpu.memref_squeeze %dma_wait3A_331 : memref<1x100x64xf32, #tpu.memory_space<vmem>> -> memref<100x64xf32, #tpu.memory_space<vmem>>
      %dma_wait3A_333 = arith.constant 0 : i32
      %dma_wait3A_334 = tpu.memref_slice %arg13[%dma_wait3A_327, %dma_wait3A_333] : memref<2x100xi32, #tpu.memory_space<vmem>> -> memref<1x100xi32, #tpu.memory_space<vmem>>
      %dma_wait3A_335 = tpu.memref_squeeze %dma_wait3A_334 : memref<1x100xi32, #tpu.memory_space<vmem>> -> memref<100xi32, #tpu.memory_space<vmem>>
      %dma_wait3A_336 = arith.constant 0 : i32
      %dma_wait3A_337 = arith.constant 0 : i32
      %dma_wait3A_338 = tpu.memref_slice %arg3[%dma_wait3A_336, %dma_wait3A_337] : memref<1000000x64xf32, #tpu.memory_space<hbm>> -> memref<1000000x64xf32, #tpu.memory_space<hbm>>
      tpu.wait_indirect_dma semaphore(%arg26 : memref<!tpu.dma_semaphore, #tpu.memory_space<semaphore_mem>>) src(%dma_wait3A_338 : memref<1000000x64xf32, #tpu.memory_space<hbm>>) dst(%dma_wait3A_332 : memref<100x64xf32, #tpu.memory_space<vmem>>)
      %mul3A_339 = arith.constant 2 : i32
      %mul3A_340 = arith.muli %add3A_277, %mul3A_339 : i32
      %add3A_341 = arith.addi %mul3A_2, %mul3A_340 : i32
      %dma_start3A_342 = arith.constant 0 : i32
      %dma_start3A_343 = arith.constant 0 : i32
      %dma_start3A_344 = tpu.memref_slice %arg5[%add3A_341, %dma_start3A_342, %dma_start3A_343] : memref<8192x100x64xf32, #tpu.memory_space<hbm>> -> memref<2x100x64xf32, #tpu.memory_space<hbm>>
      %dma_start3A_345 = arith.constant 0 : i32
      %dma_start3A_346 = arith.constant 0 : i32
      %dma_start3A_347 = tpu.memref_slice %arg5[%add3A_341, %dma_start3A_345, %dma_start3A_346] : memref<8192x100x64xf32, #tpu.memory_space<hbm>> -> memref<2x100x64xf32, #tpu.memory_space<hbm>>
      tpu.enqueue_dma source(%arg9 : memref<2x100x64xf32, #tpu.memory_space<vmem>>) target(%dma_start3A_347 : memref<2x100x64xf32, #tpu.memory_space<hbm>>) target_semaphore(%arg30 : memref<!tpu.dma_semaphore, #tpu.memory_space<semaphore_mem>>)
    }
    %scan3A_20 = arith.constant 32 : i32
    %dma_wait3A = arith.constant 0 : i32
    %dma_wait3A_21 = arith.constant 0 : i32
    %dma_wait3A_22 = arith.constant 0 : i32
    %dma_wait3A_23 = tpu.memref_slice %arg5[%dma_wait3A, %dma_wait3A_21, %dma_wait3A_22] : memref<8192x100x64xf32, #tpu.memory_space<hbm>> -> memref<2x100x64xf32, #tpu.memory_space<hbm>>
    %dma_wait3A_24 = arith.constant 0 : i32
    %dma_wait3A_25 = arith.constant 0 : i32
    %dma_wait3A_26 = arith.constant 0 : i32
    %dma_wait3A_27 = tpu.memref_slice %arg5[%dma_wait3A_24, %dma_wait3A_25, %dma_wait3A_26] : memref<8192x100x64xf32, #tpu.memory_space<hbm>> -> memref<2x100x64xf32, #tpu.memory_space<hbm>>
    tpu.wait_dma2 semaphore(%arg27 : memref<!tpu.dma_semaphore, #tpu.memory_space<semaphore_mem>>) src(%arg6 : memref<2x100x64xf32, #tpu.memory_space<vmem>>) dst(%dma_wait3A_27 : memref<2x100x64xf32, #tpu.memory_space<hbm>>)
    %dma_wait3A_28 = arith.constant 0 : i32
    %dma_wait3A_29 = arith.constant 0 : i32
    %dma_wait3A_30 = arith.constant 0 : i32
    %dma_wait3A_31 = tpu.memref_slice %arg5[%dma_wait3A_28, %dma_wait3A_29, %dma_wait3A_30] : memref<8192x100x64xf32, #tpu.memory_space<hbm>> -> memref<2x100x64xf32, #tpu.memory_space<hbm>>
    %dma_wait3A_32 = arith.constant 0 : i32
    %dma_wait3A_33 = arith.constant 0 : i32
    %dma_wait3A_34 = arith.constant 0 : i32
    %dma_wait3A_35 = tpu.memref_slice %arg5[%dma_wait3A_32, %dma_wait3A_33, %dma_wait3A_34] : memref<8192x100x64xf32, #tpu.memory_space<hbm>> -> memref<2x100x64xf32, #tpu.memory_space<hbm>>
    tpu.wait_dma2 semaphore(%arg28 : memref<!tpu.dma_semaphore, #tpu.memory_space<semaphore_mem>>) src(%arg7 : memref<2x100x64xf32, #tpu.memory_space<vmem>>) dst(%dma_wait3A_35 : memref<2x100x64xf32, #tpu.memory_space<hbm>>)
    %dma_wait3A_36 = arith.constant 0 : i32
    %dma_wait3A_37 = arith.constant 0 : i32
    %dma_wait3A_38 = arith.constant 0 : i32
    %dma_wait3A_39 = tpu.memref_slice %arg5[%dma_wait3A_36, %dma_wait3A_37, %dma_wait3A_38] : memref<8192x100x64xf32, #tpu.memory_space<hbm>> -> memref<2x100x64xf32, #tpu.memory_space<hbm>>
    %dma_wait3A_40 = arith.constant 0 : i32
    %dma_wait3A_41 = arith.constant 0 : i32
    %dma_wait3A_42 = arith.constant 0 : i32
    %dma_wait3A_43 = tpu.memref_slice %arg5[%dma_wait3A_40, %dma_wait3A_41, %dma_wait3A_42] : memref<8192x100x64xf32, #tpu.memory_space<hbm>> -> memref<2x100x64xf32, #tpu.memory_space<hbm>>
    tpu.wait_dma2 semaphore(%arg29 : memref<!tpu.dma_semaphore, #tpu.memory_space<semaphore_mem>>) src(%arg8 : memref<2x100x64xf32, #tpu.memory_space<vmem>>) dst(%dma_wait3A_43 : memref<2x100x64xf32, #tpu.memory_space<hbm>>)
    %dma_wait3A_44 = arith.constant 0 : i32
    %dma_wait3A_45 = arith.constant 0 : i32
    %dma_wait3A_46 = arith.constant 0 : i32
    %dma_wait3A_47 = tpu.memref_slice %arg5[%dma_wait3A_44, %dma_wait3A_45, %dma_wait3A_46] : memref<8192x100x64xf32, #tpu.memory_space<hbm>> -> memref<2x100x64xf32, #tpu.memory_space<hbm>>
    %dma_wait3A_48 = arith.constant 0 : i32
    %dma_wait3A_49 = arith.constant 0 : i32
    %dma_wait3A_50 = arith.constant 0 : i32
    %dma_wait3A_51 = tpu.memref_slice %arg5[%dma_wait3A_48, %dma_wait3A_49, %dma_wait3A_50] : memref<8192x100x64xf32, #tpu.memory_space<hbm>> -> memref<2x100x64xf32, #tpu.memory_space<hbm>>
    tpu.wait_dma2 semaphore(%arg30 : memref<!tpu.dma_semaphore, #tpu.memory_space<semaphore_mem>>) src(%arg9 : memref<2x100x64xf32, #tpu.memory_space<vmem>>) dst(%dma_wait3A_51 : memref<2x100x64xf32, #tpu.memory_space<hbm>>)
    return
  }
}

</mosaic_0001>

<sc_bundles>
// kernel: kernel.3.cloned.1.call-start
scs
__scs_entry_jumppad:
0x0: {  	(pc) =	sbr.rel $0x88, $3  }
0x1: {  	(tag) =	ssettag $0x0;
	lr =	simm.s32 $0x1  }
0x2: {  	[smem:$0x3F9E] =	sst lr;
	_ =	strace $0xD0000000  }
0x3: {  	_ = 	snop  }
0x4: {  	_ = 	snop  }
0x5: {  	_ = 	snop  }
0x6: {  	_ = 	snop  }
0x7: {  	_ = 	snop  }
__scs_overlays_trampoline_lowered:
0x8: {  	[smem:$0x3FAD] =	sst s0  }
0x9: {  	[smem:$0x3FAE] =	sst s1  }
0xa: {  	[smem:$0x3FAF] =	sst s2  }
0xb: {  	[smem:$0x3FB0] =	sst s3  }
0xc: {  	[smem:$0x3FB1] =	sst s4  }
0xd: {  	[smem:$0x3FB2] =	sst s5  }
0xe: {  	[smem:$0x3FB3] =	sst s6  }
0xf: {  	[smem:$0x3FB4] =	sst s7  }
0x10: {  	[smem:$0x3FB5] =	sst s8  }
0x11: {  	[smem:$0x3FB6] =	sst s9;
	s0 =	simm.s32 @!p0 $0x0  }
0x12: {  	s1 =	sld [smem:$0x3F9C];
	s0 =	simm.s32 @p0 $0x1  }
0x13: {  	[smem:$0x3FB7] =	sst s0;
	s0 =	simm.s32 @!p1 $0x0  }
0x14: {  	s2 =	sld [smem:$0x3F9B];
	s0 =	simm.s32 @p1 $0x1  }
0x15: {  	[smem:$0x3FB8] =	sst s0;
	s0 =	simm.s32 @!p2 $0x0  }
0x16: {  	s3 =	sld [smem:$0x3FDB];
	s0 =	simm.s32 @p2 $0x1  }
0x17: {  	s4 =	simm.s32 $0x1BF5;
	[smem:$0x3FBA] =	sst s0  }
0x18: {  	s0 =	sld [smem:$0x3F9D];
	_ =	swait.ge [sflag:s4], $0x0  }
0x19: {  	s7 =	sld [smem:$0x3F9E]  }
0x1a: {  	s8 =	sadd.s32 $0xFFFFE003, lr  }
0x1b: {  	s9 =	sadd.s32 $0xFFFFFEF7, lr;
	s5 =	simm.s32 $0xFFFFFFFF;
	p2 =	slt.u32 s8, $0xFFFFF086  }
0x1c: {  	p1 =	slt.u32 s9, $0xF7A;
	s5 =	simm.s32 @!p2 $0x0  }
0x1d: {  	s5 =	simm.s32 @p1 $0x1;
	p0 =	seq.s32 s7, s2  }
0x1e: {  	s7 =	smul.u32 @!p0 $0xF7A, s2;
	p2 =	seq.s32 @!p0 s5, $0x0  }
0x1f: {  	s9 =	smul.u32 $0xF7A, s1;
	s8 =	simm.s32 @!p0 $0x1BF5;
	p2 =	por !p2, p0  }
0x20: {  	[sflag:s8] =	ssyncset.s32 @!p0 $0xFFFFF086;
	s6 =	sadd.s32 @!p0 s3, s7;
	s7 =	simm.s32 @!p0 $0x108  }
0x21: {  	s3 =	sadd.s32 s3, s9;
	s6 =	sadd.s32 @!p0 $0x88, s6;
	s7 =	simm.s32 @p2 $0x1082  }
0x22: {  	[simem:s7], [sflag:s8] =	dma.local @!p0 [hbm:s6], $0xF7A  }
0x23: {  	s9 =	sor.u32 $0xD0000000, s2;
	s6 =	simm.s32 $0x108;
	_ =	swait.ge @!p0 [sflag:s8], $0x0  }
0x24: {  	s3 =	sadd.s32 $0x88, s3;
	s6 =	simm.s32 @!p1 $0x1082;
	[sflag:s4] =	ssyncset.s32 $0xFFFFF086  }
0x25: {  	[simem:s6], [sflag:s4] =	dma.local [hbm:s3], $0xF7A  }
0x26: {  	[smem:$0x3F9E] =	sst s1;
	(tag) =	ssettag s2;
	_ =	strace s9  }
0x27: {  	s1 =	sld [smem:$0x3FAE]  }
0x28: {  	s2 =	sld [smem:$0x3FAF]  }
0x29: {  	s4 =	sld [smem:$0x3FB1]  }
0x2a: {  	p0 =	seq.s32 s5, $0x0;
	s5 =	sld [smem:$0x3FB2]  }
0x2b: {  	s6 =	sld [smem:$0x3FB3]  }
0x2c: {  	s7 =	sld [smem:$0x3FB4]  }
0x2d: {  	s3 =	simm.s32 $0x108;
	s8 =	sld [smem:$0x3FB5]  }
0x2e: {  	s3 =	simm.s32 @!p0 $0x1082;
	s9 =	sld [smem:$0x3FB6]  }
0x2f: {  	lr =	sadd.s32 s0, s3;
	s0 =	sld [smem:$0x3FAD]  }
0x30: {  	s3 =	sld [smem:$0x3FB0]  }
0x31: {  	[smem:$0x3FB9] =	sst s10  }
0x32: {  	s10 =	sld [smem:$0x3FB7];
	_ =	sdelay $0x3  }
0x33: {  	p0 =	seq.s32 s10, $0x1;
	s10 =	sld [smem:$0x3FB9];
	_ =	sdelay $0x3  }
0x34: {  	[smem:$0x3FB9] =	sst s10  }
0x35: {  	s10 =	sld [smem:$0x3FB8];
	_ =	sdelay $0x3  }
0x36: {  	p1 =	seq.s32 s10, $0x1;
	s10 =	sld [smem:$0x3FB9];
	_ =	sdelay $0x3  }
0x37: {  	[smem:$0x3FB9] =	sst s10  }
0x38: {  	s10 =	sld [smem:$0x3FBA]  }
0x39: {  	_ = 	snop;
	(pc) =	sbr.ind lr, $3  }
0x3a: {  	_ = 	snop  }
0x3b: {  	_ = 	snop  }
0x3c: {  	p2 =	seq.s32 s10, $0x1;
	s10 =	sld [smem:$0x3FB9]  }
0x3d: {  	_ =	shalt  }
0x3e: {  	_ =	shalt  }
0x3f: {  	_ =	shalt  }
0x40: {  	_ =	shalt  }
0x41: {  	_ =	shalt  }
0x42: {  	_ =	shalt  }
0x43: {  	_ =	shalt  }
0x44: {  	_ =	shalt  }
0x45: {  	_ =	shalt  }
0x46: {  	_ =	shalt  }
0x47: {  	_ =	shalt  }
0x48: {  	_ =	shalt  }
0x49: {  	_ =	shalt  }
0x4a: {  	_ =	shalt  }
0x4b: {  	_ =	shalt  }
0x4c: {  	_ =	shalt  }
0x4d: {  	_ =	shalt  }
0x4e: {  	_ =	shalt  }
0x4f: {  	_ =	shalt  }
0x50: {  	_ =	shalt  }
0x51: {  	_ =	shalt  }
0x52: {  	_ =	shalt  }
0x53: {  	_ =	shalt  }
0x54: {  	_ =	shalt  }
0x55: {  	_ =	shalt  }
0x56: {  	_ =	shalt  }
0x57: {  	_ =	shalt  }
0x58: {  	_ =	shalt  }
0x59: {  	_ =	shalt  }
0x5a: {  	_ =	shalt  }
0x5b: {  	_ =	shalt  }
0x5c: {  	_ =	shalt  }
0x5d: {  	_ =	shalt  }
0x5e: {  	_ =	shalt  }
0x5f: {  	_ =	shalt  }
0x60: {  	_ =	shalt  }
0x61: {  	_ =	shalt  }
0x62: {  	_ =	shalt  }
0x63: {  	_ =	shalt  }
0x64: {  	_ =	shalt  }
0x65: {  	_ =	shalt  }
0x66: {  	_ =	shalt  }
0x67: {  	_ =	shalt  }
0x68: {  	_ =	shalt  }
0x69: {  	_ =	shalt  }
0x6a: {  	_ =	shalt  }
0x6b: {  	_ =	shalt  }
0x6c: {  	_ =	shalt  }
0x6d: {  	_ =	shalt  }
0x6e: {  	_ =	shalt  }
0x6f: {  	_ =	shalt  }
0x70: {  	_ =	shalt  }
0x71: {  	_ =	shalt  }
0x72: {  	_ =	shalt  }
0x73: {  	_ =	shalt  }
0x74: {  	_ =	shalt  }
0x75: {  	_ =	shalt  }
0x76: {  	_ =	shalt  }
0x77: {  	_ =	shalt  }
0x78: {  	_ =	shalt  }
0x79: {  	_ =	shalt  }
0x7a: {  	_ =	shalt  }
0x7b: {  	_ =	shalt  }
0x7c: {  	_ =	shalt  }
0x7d: {  	_ =	shalt  }
0x7e: {  	_ =	shalt  }
0x7f: {  	_ =	shalt  }
0x80: {  	_ =	shalt  }
0x81: {  	_ =	shalt  }
0x82: {  	_ =	shalt  }
0x83: {  	_ =	shalt  }
0x84: {  	_ =	shalt  }
0x85: {  	_ =	shalt  }
0x86: {  	_ =	shalt  }
0x87: {  	_ =	shalt  }
.Lfunc_end0:
.L_simem_size_0:
called_computation.1_lowered:
.L_overlay_start_0:
0x88: {  	s2 =	sld [smem:$0x3FD9]  }
0x89: {  	s3 =	sld [smem:$0x3FFE];
	_ =	sdelay $0x1  }
0x8a: {  	s1 =	srdreg.scid  }
0x8b: {  	s0 =	sand.u32 $0x1, s1  }
0x8c: {  	s17 =	sshll.u32 s0, $0xA;
	s2 =	sadd.s32 s3, s2  }
0x8d: {  	s2 =	sadd.s32 s2, s17  }
0x8e: {  	[smem:$0x3FC5] =	sst s2  }
0x8f: {  	_ = 	snop  }
0x90: {  	s2 =	sld [smem:$0x3FD0];
	(tm) =	ssettm $0x1  }
0x91: {  	s18 =	sld [smem:$0x3FFB];
	_ =	sdelay $0x3  }
0x92: {  	_ =	strace s18  }
0x93: {  	s3 =	sld [smem:$0x3FFC];
	_ =	sdelay $0x3  }
0x94: {  	_ =	strace s3  }
0x95: {  	s3 =	sld [smem:$0x3FFD];
	_ =	sdelay $0x3  }
0x96: {  	_ =	strace s3  }
0x97: {  	_ =	strace $0x8FFFFFFF  }
0x98: {  	s19 =	sld [smem:$0x3FDB];
	_ =	sdelay $0x1  }
0x99: {  	s4 =	simm.s32 $_scs_section_size  }
0x9a: {  	s5 =	simm.s32 $_size__tile_overlayer_lowered;
	s6 =	simm.s32 $_tile_overlayer_lowered  }
0x9b: {  	s22 =	simm.s32 $0x1BFF;
	s21 =	sshll.u32 s6, $0x1;
	s3 =	sadd.s32 s4, s19  }
0x9c: {  	s7 =	simm.s32 $0x0;
	s20 =	sshll.u32 s5, $0x1;
	s5 =	sadd.s32 s21, s3  }
0x9d: {  	[timem:s7], [sflag:s22] =	dma.local [hbm:s5], s20  }
0x9e: {  	_ =	swait.ge [sflag:s22], s20  }
0x9f: {  	s4 =	ssub.s32 $0x0, s20;
	[sflag:s22] =	ssyncset.done $0x0  }
0xa0: {  	[sflag:s22] =	ssyncadd.s32 s4;
	_ =	sdelay $0x1  }
0xa1: {  	s23 =	simm.s32 $0x1B8B  }
0xa2: {  	_ =	swait.ge [sflag:s23], $0x1  }
0xa3: {  	[sflag:s23] =	ssyncset.done $0x0  }
0xa4: {  	s25 =	simm.s32 $0x1B8E;
	s24 =	sld [smem:$0x3FFE];
	[sflag:s23] =	ssyncadd.s32 $0xFFFFFFFF  }
0xa5: {  	s26 =	simm.s32 $execute0_lowered;
	[smem:$0x3FD2] =	sst s25  }
0xa6: {  	s5 =	sshll.u32 s26, $0x1;
	_ =	strace $0x80000046;
	[dreg:$0x1] =	wrdreg $0xFFFFFFFF  }
0xa7: {  	s28 =	simm.s32 $_size_execute0_lowered;
	s3 =	sadd.s32 s3, s5;
	[dreg:$0x0] =	wrdreg $0x0  }
0xa8: {  	s5 =	sshll.u32 s28, $0x1;
	[dreg:$0x2] =	wrdreg s3  }
0xa9: {  	[dreg:$0x3] =	wrdreg s5  }
0xaa: {  	[dreg:$0x4] =	wrdreg $0xC0  }
0xab: {  	_ =	task [dreg:s7], $0x5FFFF  }
0xac: {  	[dreg:$0x1] =	wrdreg $0xFFFFFFFF  }
0xad: {  	[dreg:$0x0] =	wrdreg $0x60  }
0xae: {  	[dreg:$0x2] =	wrdreg s24  }
0xaf: {  	[dreg:$0x3] =	wrdreg s2  }
0xb0: {  	[dreg:$0x4] =	wrdreg $0xCB400  }
0xb1: {  	[dreg:$0x5] =	wrdreg $0x9  }
0xb2: {  	_ =	task.clear_ibuf [dreg:s7], $0x6FFFF;
	_ =	strace $0x90000046  }
0xb3: {  	s29 =	simm.s32 $0x9;
	_ =	strace $0x80000048  }
0xb4: {  	_ =	swait.ge [sflag:s29], $0x1  }
0xb5: {  	[sflag:s29] =	ssyncadd.s32 $0xFFFFFFFF  }
0xb6: {  	_ =	strace $0x90000048  }
0xb7: {  	_ =	sfence  }
0xb8: {  	s30 =	sld [smem:$0x0];
	_ =	sdelay $0x2  }
0xb9: {  	s31 =	sshll.u32 s1, $0xD;
	s1 =	sshrl.u32 s1, $0x2  }
0xba: {  	s3 =	sand.u32 $0x4000, s31;
	s1 =	sadd.s32 s1, s30  }
0xbb: {  	s0 =	sor.u32 s3, s0;
	s1 =	sshll.u32 s1, $0x11  }
0xbc: {  	s0 =	sor.u32 s1, s0  }
0xbd: {  	s0 =	sadd.s32 $0x8F2B, s0  }
0xbe: {  	[sflag:s0] =	ssyncadd.remote.s32 $0x1  }
0xbf: {  	_ =	sfence.sel $0xFFFF  }
0xc0: {  	[dreg:$0x0] =	wrdreg $0xFFFFFFFF;
	(pc) =	sbr.abs _section_cstart, $3  }
0xc1: {  	[dreg:$0x1] =	wrdreg $0xFFFFFFFF  }
0xc2: {  	_ =	task.clear_ibuf [dreg:s7], $0x2FFFF;
	_ =	strace $0x9FFFFFFF  }
0xc3: {  	(tm) =	ssettm $0x7FFFFFFF  }
tec
execute0_lowered:
.L_overlay_start_1:
0x0: {  	(tag) =	ssettag $0x1  }
0x1: {  	s0 =	rddreg [dreg:$0x0];
	s1 =	srdreg.scid  }
0x2: {  	s4 =	rddreg [dreg:$0x1];
	s6 =	stileid.u32;
	s2 =	simm.s32 $0x0  }
0x3: {  	s13 =	simm.s32 $0x1;
	s20 =	simm.s32 $0xC868;
	s14 =	simm.s32 $0x5  }
0x4: {  	s21 =	simm.s32 $0x1900;
	s22 =	simm.s32 $0xC938;
	s23 =	simm.s32 $0x4B00  }
0x5: {  	s24 =	simm.s32 $0xCA08;
	s25 =	simm.s32 $0x7D00;
	s26 =	simm.s32 $0xCAD8  }
0x6: {  	s31 =	simm.s32 $0xAF00;
	s5 =	sand.u32 $0x1, s1;
	s1 =	rddreg [dreg:$0x2]  }
0x7: {  	s28 =	simm.s32 $0x4;
	s29 =	simm.s32 $0x8;
	[smem:$0x7FF] =	sst s2  }
0x8: {  	s30 =	simm.s32 $0xC;
	_ =	strace $0x80000047;
	[dreg:$0x5] =	wrdreg s20  }
0x9: {  	s3 =	sshll.u32 s6, $0x9;
	s9 =	smul.u32 $0x64000, s6;
	[dreg:$0x6] =	wrdreg s21  }
0xa: {  	s8 =	sadd.s32 $0xC00, s0;
	s12 =	smul.u32 $0x1A00, s6;
	[dreg:$0x7] =	wrdreg s22  }
0xb: {  	p0 =	sne.s32 s6, $0x0;
	s7 =	sshll.u32 s5, $0x8;
	[dreg:$0x8] =	wrdreg s23  }
0xc: {  	s10 =	ssub.s32 $0x2, s5;
	s11 =	smul.u32 $0x32000, s5;
	[dreg:$0x9] =	wrdreg s24  }
0xd: {  	s5 =	smul.u32 $0xD00, s5;
	s20 =	simm.s32 $0x6;
	[dreg:$0xa] =	wrdreg s25  }
0xe: {  	s21 =	simm.s32 $0x9600;
	s22 =	simm.s32 $0xCA70;
	[dreg:$0xb] =	wrdreg s26  }
0xf: {  	s23 =	simm.s32 $0xA;
	s24 =	simm.s32 $0x3;
	[dreg:$0xc] =	wrdreg s31  }
0x10: {  	s25 =	simm.s32 $0x7;
	s26 =	simm.s32 $0xB;
	s3 =	sor.u32 s7, s3  }
0x11: {  	s15 =	sshrl.u32 s10, $0x1;
	s4 =	sadd.s32 s9, s4;
	s16 =	sadd.s32 s12, s8  }
0x12: {  	s12 =	simm.s32 $0xC8D0;
	s7 =	smul.u32 $0xD, s3;
	s3 =	sadd.s32 $0xF43000, s0  }
0x13: {  	s0 =	sadd.s32 $0x1AC00, s0;
	s17 =	sadd.s32 s11, s4;
	s18 =	sadd.s32 s5, s16  }
0x14: {  	s11 =	simm.s32 $0x3200;
	s16 =	simm.s32 $0x6400;
	[dreg:$0xd] =	wrdreg s0  }
0x15: {  	s0 =	ssub.s32 s10, s15;
	[dreg:$0x4] =	wrdreg s17;
	s19 =	sadd.s32 $0x82, s18  }
0x16: {  	s10 =	simm.s32 $0xC800;
	s7 =	sadd.s32 s8, s7;
	[dreg:$0x11] =	wrdreg s19  }
0x17: {  	s15 =	simm.s32 $0x64;
	s0 =	smax.u32 s0, $0x1;
	[dreg:$0xe] =	wrdreg s7  }
0x18: {  	s17 =	simm.s32 $0xC9A0;
	s7 =	sadd.s32 $0x1A, s7;
	[dreg:$0x10] =	wrdreg s0  }
0x19: {  	s18 =	simm.s32 $0x9;
	s0 =	sshrl.u32 @!p0 s1, $0x3;
	[dreg:$0xf] =	wrdreg s7  }
0x1a: {  	s19 =	simm.s32 $0x2;
	[dreg:$0x12] =	wrdreg s0;
	s7 =	simm.s32 $0x0  }
.LBB2_1:
0x1b: {  	s4 =	rddreg [dreg:$0xd]  }
0x1c: {  	s0 =	simm.s32 @!p0 $0x1C11;
	s5 =	rddreg [dreg:$0x12]  }
0x1d: {  	[spmem:s5], [sflag:s0] =	dma.local @!p0 [hbm:s4], $0x640  }
0x1e: {  	s0 =	simm.s32 @!p0 $0x11  }
0x1f: {  	_ =	swait.ge @!p0 [sflag:s0], $0x640  }
0x20: {  	[sflag:s0] =	ssyncset.done @!p0 $0x0  }
0x21: {  	[sflag:s0] =	ssyncadd.s32 @!p0 $0xFFFFF9C0  }
0x22: {  	[bflag:$0x0] =	sbarrier.arrive $0xFFFF  }
0x23: {  	[tilespmem:s2], [sflag:$0x5] =	stream.linear.gather [spmem:s1], $0x3200, $0x38;
	[tilespmem:$0xCE60] =	vst v63  }
0x24: {  	s4 =	rddreg [dreg:$0xe]  }
0x25: {  	[tilespmem:s10], [sflag:$0x1] =	stream.linear.gather [hbm4b:s4+s2], $0xD0, $0x38;
	[tilespmem:$0xCE60] =	vst v63  }
0x26: {  	_ = 	snop  }
0x27: {  	[tilespmem:s11], [sflag:$0x6] =	stream.linear.gather [spmem:s1], $0x3200, $0x38;
	[tilespmem:$0xCE60] =	vst v63  }
0x28: {  	s5 =	rddreg [dreg:$0xf]  }
0x29: {  	[tilespmem:s12], [sflag:$0x2] =	stream.linear.gather [hbm4b:s5+s2], $0xD0, $0x38;
	[tilespmem:$0xCE60] =	vst v63  }
0x2a: {  	_ =	swait.ge [sflag:s13], $0xD0  }
0x2b: {  	[sflag:s13] =	ssyncset.done $0x0  }
0x2c: {  	[sflag:s13] =	ssyncadd.s32 $0xFFFFFF30  }
0x2d: {  	_ =	swait.ge [sflag:s14], $0x3200  }
0x2e: {  	[sflag:s14] =	ssyncset.done $0x0  }
0x2f: {  	p1 =	por $0x1, $0x1;
	s6 =	rddreg [dreg:$0x6];
	[sflag:s14] =	ssyncadd.s32 $0xFFFFCE00  }
0x30: {  	[tilespmem:s2], [sflag:$0x9] =	stream.indirect.gather.add.f32 [hbm:s3], $0x40, s10, s15, $0xb8;
	[tilespmem:$0xCE60] =	vst v63  }
0x31: {  	s0 =	simm.s32 @!p1 $0xF;
	s8 =	rddreg [dreg:$0x5]  }
0x32: {  	[tilespmem:s6], [sflag:$0x9] =	stream.indirect.gather.add.f32 [hbm:s3], $0x40, s8, s15, $0xb8;
	[tilespmem:$0xCE60] =	vst v63  }
0x33: {  	_ =	swait.ge @!p1 [sflag:s0], $0x3200  }
0x34: {  	[sflag:s0] =	ssyncset.done @!p1 $0x0  }
0x35: {  	s4 =	rddreg [dreg:$0x11];
	[sflag:s0] =	ssyncadd.s32 @!p1 $0xFFFFCE00  }
0x36: {  	[tilespmem:s16], [sflag:$0x7] =	stream.linear.gather [spmem:s1], $0x3200, $0x38;
	[tilespmem:$0xCE60] =	vst v63  }
0x37: {  	s8 =	sadd.s32 $0xFFFFFFB2, s4  }
0x38: {  	[tilespmem:s17], [sflag:$0x3] =	stream.linear.gather [hbm4b:s8+s2], $0xD0, $0x38;
	[tilespmem:$0xCE60] =	vst v63  }
0x39: {  	_ =	swait.ge [sflag:s18], $0x1900  }
0x3a: {  	[sflag:s18] =	ssyncset.done $0x0  }
0x3b: {  	[sflag:s18] =	ssyncadd.s32 $0xFFFFE700  }
0x3c: {  	_ =	swait.ge [sflag:s18], $0x1900  }
0x3d: {  	s9 =	rddreg [dreg:$0x4];
	[sflag:s18] =	ssyncset.done $0x0  }
0x3e: {  	[sflag:s18] =	ssyncadd.s32 $0xFFFFE700;
	s0 =	sadd.s32 $0x0, s9  }
0x3f: {  	[hbm4b:s0+s2] =	stream.linear.scatter [tilespmem:s2], [sflag:$0xD], $0x3200, $0x38;
	[tilespmem:$0xCE60] =	vst v63  }
0x40: {  	_ =	swait.ge [sflag:s19], $0xD0  }
0x41: {  	[sflag:s19] =	ssyncset.done $0x0  }
0x42: {  	[sflag:s19] =	ssyncadd.s32 $0xFFFFFF30  }
0x43: {  	_ =	swait.ge [sflag:s20], $0x3200  }
0x44: {  	[sflag:s20] =	ssyncset.done $0x0  }
0x45: {  	s5 =	rddreg [dreg:$0x8];
	[sflag:s20] =	ssyncadd.s32 $0xFFFFCE00  }
0x46: {  	[tilespmem:s11], [sflag:$0xA] =	stream.indirect.gather.add.f32 [hbm:s3], $0x40, s12, s15, $0xb8;
	[tilespmem:$0xCE60] =	vst v63  }
0x47: {  	s31 =	simm.s32 @!p1 $0x10;
	s9 =	rddreg [dreg:$0x7]  }
0x48: {  	[tilespmem:s5], [sflag:$0xA] =	stream.indirect.gather.add.f32 [hbm:s3], $0x40, s9, s15, $0xb8;
	[tilespmem:$0xCE60] =	vst v63  }
0x49: {  	_ =	swait.ge @!p1 [sflag:s31], $0x3200  }
0x4a: {  	[sflag:s31] =	ssyncset.done @!p1 $0x0  }
0x4b: {  	[sflag:s31] =	ssyncadd.s32 @!p1 $0xFFFFCE00  }
0x4c: {  	[tilespmem:s21], [sflag:$0x8] =	stream.linear.gather [spmem:s1], $0x3200, $0x38;
	[tilespmem:$0xCE60] =	vst v63  }
0x4d: {  	s6 =	sadd.s32 $0xFFFFFFCC, s4  }
0x4e: {  	[tilespmem:s22], [sflag:$0x4] =	stream.linear.gather [hbm4b:s6+s2], $0xD0, $0x38;
	[tilespmem:$0xCE60] =	vst v63  }
0x4f: {  	_ =	swait.ge [sflag:s23], $0x1900  }
0x50: {  	[sflag:s23] =	ssyncset.done $0x0  }
0x51: {  	[sflag:s23] =	ssyncadd.s32 $0xFFFFE700  }
0x52: {  	_ =	swait.ge [sflag:s23], $0x1900  }
0x53: {  	[sflag:s23] =	ssyncset.done $0x0  }
0x54: {  	s9 =	sadd.s32 $0x640, s0;
	[sflag:s23] =	ssyncadd.s32 $0xFFFFE700  }
0x55: {  	[hbm4b:s9+s2] =	stream.linear.scatter [tilespmem:s11], [sflag:$0xE], $0x3200, $0x38;
	[tilespmem:$0xCE60] =	vst v63  }
0x56: {  	_ =	swait.ge [sflag:s24], $0xD0  }
0x57: {  	[sflag:s24] =	ssyncset.done $0x0  }
0x58: {  	[sflag:s24] =	ssyncadd.s32 $0xFFFFFF30  }
0x59: {  	_ =	swait.ge [sflag:s25], $0x3200  }
0x5a: {  	[sflag:s25] =	ssyncset.done $0x0  }
0x5b: {  	p1 =	por $0x0, $0x0;
	s5 =	rddreg [dreg:$0xa];
	[sflag:s25] =	ssyncadd.s32 $0xFFFFCE00  }
0x5c: {  	[tilespmem:s16], [sflag:$0xB] =	stream.indirect.gather.add.f32 [hbm:s3], $0x40, s17, s15, $0xb8;
	[tilespmem:$0xCE60] =	vst v63  }
0x5d: {  	s31 =	simm.s32 @!p1 $0xD;
	s6 =	rddreg [dreg:$0x9]  }
0x5e: {  	[tilespmem:s5], [sflag:$0xB] =	stream.indirect.gather.add.f32 [hbm:s3], $0x40, s6, s15, $0xb8;
	[tilespmem:$0xCE60] =	vst v63  }
0x5f: {  	_ =	swait.ge @!p1 [sflag:s31], $0x3200  }
0x60: {  	[sflag:s31] =	ssyncset.done @!p1 $0x0  }
0x61: {  	s8 =	simm.s32 @!p1 $0x0;
	[sflag:s31] =	ssyncadd.s32 @!p1 $0xFFFFCE00  }
0x62: {  	[tilespmem:s8], [sflag:$0x5] =	stream.linear.gather @!p1 [spmem:s1], $0x3200, $0x38;
	[tilespmem:$0xCE60] =	vst v63  }
0x63: {  	s9 =	sadd.s32 @!p1 $0xFFFFFFE6, s4;
	s31 =	simm.s32 @!p1 $0xC800  }
0x64: {  	[tilespmem:s31], [sflag:$0x1] =	stream.linear.gather @!p1 [hbm4b:s9+s8], $0xD0, $0x38;
	[tilespmem:$0xCE60] =	vst v63  }
0x65: {  	_ =	swait.ge [sflag:s26], $0x1900  }
0x66: {  	[sflag:s26] =	ssyncset.done $0x0  }
0x67: {  	[sflag:s26] =	ssyncadd.s32 $0xFFFFE700  }
0x68: {  	_ =	swait.ge [sflag:s26], $0x1900  }
0x69: {  	[sflag:s26] =	ssyncset.done $0x0  }
0x6a: {  	s5 =	sadd.s32 $0xC80, s0;
	[sflag:s26] =	ssyncadd.s32 $0xFFFFE700  }
0x6b: {  	[hbm4b:s5+s2] =	stream.linear.scatter [tilespmem:s16], [sflag:$0xF], $0x3200, $0x38;
	[tilespmem:$0xCE60] =	vst v63  }
0x6c: {  	_ =	swait.ge [sflag:s28], $0xD0  }
0x6d: {  	[sflag:s28] =	ssyncset.done $0x0  }
0x6e: {  	[sflag:s28] =	ssyncadd.s32 $0xFFFFFF30  }
0x6f: {  	_ =	swait.ge [sflag:s29], $0x3200  }
0x70: {  	[sflag:s29] =	ssyncset.done $0x0  }
0x71: {  	s6 =	rddreg [dreg:$0xc];
	[sflag:s29] =	ssyncadd.s32 $0xFFFFCE00  }
0x72: {  	[tilespmem:s21], [sflag:$0xC] =	stream.indirect.gather.add.f32 [hbm:s3], $0x40, s22, s15, $0xb8;
	[tilespmem:$0xCE60] =	vst v63  }
0x73: {  	s9 =	simm.s32 @!p1 $0xE;
	s31 =	rddreg [dreg:$0xb]  }
0x74: {  	[tilespmem:s6], [sflag:$0xC] =	stream.indirect.gather.add.f32 [hbm:s3], $0x40, s31, s15, $0xb8;
	[tilespmem:$0xCE60] =	vst v63  }
0x75: {  	_ =	swait.ge @!p1 [sflag:s9], $0x3200  }
0x76: {  	[sflag:s9] =	ssyncset.done @!p1 $0x0  }
0x77: {  	[sflag:s9] =	ssyncadd.s32 @!p1 $0xFFFFCE00;
	s9 =	simm.s32 @!p1 $0x3200  }
0x78: {  	[tilespmem:s9], [sflag:$0x6] =	stream.linear.gather @!p1 [spmem:s1], $0x3200, $0x38;
	[tilespmem:$0xCE60] =	vst v63  }
0x79: {  	s9 =	simm.s32 @!p1 $0xC8D0  }
0x7a: {  	[tilespmem:s9], [sflag:$0x2] =	stream.linear.gather @!p1 [hbm4b:s4+s8], $0xD0, $0x38;
	[tilespmem:$0xCE60] =	vst v63  }
0x7b: {  	_ =	swait.ge [sflag:s30], $0x1900  }
0x7c: {  	[sflag:s30] =	ssyncset.done $0x0  }
0x7d: {  	[sflag:s30] =	ssyncadd.s32 $0xFFFFE700  }
0x7e: {  	s31 =	sadd.s32 $0x12C0, s0;
	_ =	swait.ge [sflag:s30], $0x1900  }
0x7f: {  	s9 =	simm.s32 $0x1900;
	s8 =	smov.u32 s4;
	[sflag:s30] =	ssyncset.done $0x0  }
.LBB2_2:
0x80: {  	[sflag:s30] =	ssyncadd.s32 $0xFFFFE700  }
0x81: {  	[hbm4b:s31+s2] =	stream.linear.scatter [tilespmem:s21], [sflag:$0x10], $0x3200, $0x38;
	[tilespmem:$0xCE60] =	vst v63  }
0x82: {  	_ =	swait.ge [sflag:s13], $0xD0  }
0x83: {  	[sflag:s13] =	ssyncset.done $0x0  }
0x84: {  	[sflag:s13] =	ssyncadd.s32 $0xFFFFFF30  }
0x85: {  	_ =	swait.ge [sflag:s14], $0x3200  }
0x86: {  	[sflag:s14] =	ssyncset.done $0x0  }
0x87: {  	s0 =	smov.u32 s9;
	s31 =	rddreg [dreg:$0x6];
	[sflag:s14] =	ssyncadd.s32 $0xFFFFCE00  }
0x88: {  	[tilespmem:s2], [sflag:$0x9] =	stream.indirect.gather.add.f32 [hbm:s3], $0x40, s10, s15, $0xb8;
	[tilespmem:$0xCE60] =	vst v63  }
0x89: {  	p2 =	seq.s32 s0, $0x0;
	s4 =	rddreg [dreg:$0x5]  }
0x8a: {  	[tilespmem:s31], [sflag:$0x9] =	stream.indirect.gather.add.f32 [hbm:s3], $0x40, s4, s15, $0xb8;
	[tilespmem:$0xCE60] =	vst v63  }
0x8b: {  	s4 =	simm.s32 @!p2 $0xF  }
0x8c: {  	_ =	swait.ge @!p2 [sflag:s4], $0x3200  }
0x8d: {  	[sflag:s4] =	ssyncset.done @!p2 $0x0  }
0x8e: {  	s8 =	sadd.s32 $0x68, s8;
	[sflag:s4] =	ssyncadd.s32 @!p2 $0xFFFFCE00  }
0x8f: {  	[tilespmem:s16], [sflag:$0x7] =	stream.linear.gather [spmem:s1], $0x3200, $0x38;
	[tilespmem:$0xCE60] =	vst v63  }
0x90: {  	s5 =	sadd.s32 $0xFFFFFFB2, s8  }
0x91: {  	[tilespmem:s17], [sflag:$0x3] =	stream.linear.gather [hbm4b:s5+s2], $0xD0, $0x38;
	[tilespmem:$0xCE60] =	vst v63  }
0x92: {  	_ =	swait.ge [sflag:s18], $0x1900  }
0x93: {  	[sflag:s18] =	ssyncset.done $0x0  }
0x94: {  	[sflag:s18] =	ssyncadd.s32 $0xFFFFE700  }
0x95: {  	_ =	swait.ge [sflag:s18], $0x1900  }
0x96: {  	s6 =	rddreg [dreg:$0x4];
	[sflag:s18] =	ssyncset.done $0x0  }
0x97: {  	[sflag:s18] =	ssyncadd.s32 $0xFFFFE700;
	s31 =	sadd.s32 s0, s6  }
0x98: {  	[hbm4b:s31+s2] =	stream.linear.scatter [tilespmem:s2], [sflag:$0xD], $0x3200, $0x38;
	[tilespmem:$0xCE60] =	vst v63  }
0x99: {  	_ =	swait.ge [sflag:s19], $0xD0  }
0x9a: {  	[sflag:s19] =	ssyncset.done $0x0  }
0x9b: {  	[sflag:s19] =	ssyncadd.s32 $0xFFFFFF30  }
0x9c: {  	_ =	swait.ge [sflag:s20], $0x3200  }
0x9d: {  	[sflag:s20] =	ssyncset.done $0x0  }
0x9e: {  	s4 =	rddreg [dreg:$0x8];
	[sflag:s20] =	ssyncadd.s32 $0xFFFFCE00  }
0x9f: {  	[tilespmem:s11], [sflag:$0xA] =	stream.indirect.gather.add.f32 [hbm:s3], $0x40, s12, s15, $0xb8;
	[tilespmem:$0xCE60] =	vst v63  }
0xa0: {  	s5 =	simm.s32 @!p2 $0x10;
	s6 =	rddreg [dreg:$0x7]  }
0xa1: {  	[tilespmem:s4], [sflag:$0xA] =	stream.indirect.gather.add.f32 [hbm:s3], $0x40, s6, s15, $0xb8;
	[tilespmem:$0xCE60] =	vst v63  }
0xa2: {  	_ =	swait.ge @!p2 [sflag:s5], $0x3200  }
0xa3: {  	[sflag:s5] =	ssyncset.done @!p2 $0x0  }
0xa4: {  	[sflag:s5] =	ssyncadd.s32 @!p2 $0xFFFFCE00  }
0xa5: {  	[tilespmem:s21], [sflag:$0x8] =	stream.linear.gather [spmem:s1], $0x3200, $0x38;
	[tilespmem:$0xCE60] =	vst v63  }
0xa6: {  	s5 =	sadd.s32 $0xFFFFFFCC, s8  }
0xa7: {  	[tilespmem:s22], [sflag:$0x4] =	stream.linear.gather [hbm4b:s5+s2], $0xD0, $0x38;
	[tilespmem:$0xCE60] =	vst v63  }
0xa8: {  	_ =	swait.ge [sflag:s23], $0x1900  }
0xa9: {  	[sflag:s23] =	ssyncset.done $0x0  }
0xaa: {  	[sflag:s23] =	ssyncadd.s32 $0xFFFFE700  }
0xab: {  	_ =	swait.ge [sflag:s23], $0x1900  }
0xac: {  	[sflag:s23] =	ssyncset.done $0x0  }
0xad: {  	s6 =	sadd.s32 $0x640, s31;
	[sflag:s23] =	ssyncadd.s32 $0xFFFFE700  }
0xae: {  	[hbm4b:s6+s2] =	stream.linear.scatter [tilespmem:s11], [sflag:$0xE], $0x3200, $0x38;
	[tilespmem:$0xCE60] =	vst v63  }
0xaf: {  	_ =	swait.ge [sflag:s24], $0xD0  }
0xb0: {  	[sflag:s24] =	ssyncset.done $0x0  }
0xb1: {  	[sflag:s24] =	ssyncadd.s32 $0xFFFFFF30  }
0xb2: {  	_ =	swait.ge [sflag:s25], $0x3200  }
0xb3: {  	[sflag:s25] =	ssyncset.done $0x0  }
0xb4: {  	p2 =	seq.s32 s0, $0x30700;
	s5 =	rddreg [dreg:$0xa];
	[sflag:s25] =	ssyncadd.s32 $0xFFFFCE00  }
0xb5: {  	[tilespmem:s16], [sflag:$0xB] =	stream.indirect.gather.add.f32 [hbm:s3], $0x40, s17, s15, $0xb8;
	[tilespmem:$0xCE60] =	vst v63  }
0xb6: {  	s0 =	simm.s32 @!p2 $0xD;
	s6 =	rddreg [dreg:$0x9]  }
0xb7: {  	[tilespmem:s5], [sflag:$0xB] =	stream.indirect.gather.add.f32 [hbm:s3], $0x40, s6, s15, $0xb8;
	[tilespmem:$0xCE60] =	vst v63  }
0xb8: {  	_ =	swait.ge @!p2 [sflag:s0], $0x3200  }
0xb9: {  	[sflag:s0] =	ssyncset.done @!p2 $0x0  }
0xba: {  	s4 =	simm.s32 @!p2 $0x0;
	[sflag:s0] =	ssyncadd.s32 @!p2 $0xFFFFCE00  }
0xbb: {  	[tilespmem:s4], [sflag:$0x5] =	stream.linear.gather @!p2 [spmem:s1], $0x3200, $0x38;
	[tilespmem:$0xCE60] =	vst v63  }
0xbc: {  	s5 =	simm.s32 @!p2 $0xC800;
	s0 =	sadd.s32 @!p2 $0xFFFFFFE6, s8  }
0xbd: {  	[tilespmem:s5], [sflag:$0x1] =	stream.linear.gather @!p2 [hbm4b:s0+s4], $0xD0, $0x38;
	[tilespmem:$0xCE60] =	vst v63  }
0xbe: {  	_ =	swait.ge [sflag:s26], $0x1900  }
0xbf: {  	[sflag:s26] =	ssyncset.done $0x0  }
0xc0: {  	[sflag:s26] =	ssyncadd.s32 $0xFFFFE700  }
0xc1: {  	_ =	swait.ge [sflag:s26], $0x1900  }
0xc2: {  	[sflag:s26] =	ssyncset.done $0x0  }
0xc3: {  	s6 =	sadd.s32 $0xC80, s31;
	[sflag:s26] =	ssyncadd.s32 $0xFFFFE700  }
0xc4: {  	[hbm4b:s6+s2] =	stream.linear.scatter [tilespmem:s16], [sflag:$0xF], $0x3200, $0x38;
	[tilespmem:$0xCE60] =	vst v63  }
0xc5: {  	_ =	swait.ge [sflag:s28], $0xD0  }
0xc6: {  	[sflag:s28] =	ssyncset.done $0x0  }
0xc7: {  	[sflag:s28] =	ssyncadd.s32 $0xFFFFFF30  }
0xc8: {  	_ =	swait.ge [sflag:s29], $0x3200  }
0xc9: {  	[sflag:s29] =	ssyncset.done $0x0  }
0xca: {  	s0 =	rddreg [dreg:$0xc];
	[sflag:s29] =	ssyncadd.s32 $0xFFFFCE00  }
0xcb: {  	[tilespmem:s21], [sflag:$0xC] =	stream.indirect.gather.add.f32 [hbm:s3], $0x40, s22, s15, $0xb8;
	[tilespmem:$0xCE60] =	vst v63  }
0xcc: {  	s6 =	simm.s32 @!p2 $0xE;
	s5 =	rddreg [dreg:$0xb]  }
0xcd: {  	[tilespmem:s0], [sflag:$0xC] =	stream.indirect.gather.add.f32 [hbm:s3], $0x40, s5, s15, $0xb8;
	[tilespmem:$0xCE60] =	vst v63  }
0xce: {  	_ =	swait.ge @!p2 [sflag:s6], $0x3200  }
0xcf: {  	[sflag:s6] =	ssyncset.done @!p2 $0x0  }
0xd0: {  	s9 =	sadd.s32 $0x1900, s9;
	s0 =	simm.s32 @!p2 $0x3200;
	[sflag:s6] =	ssyncadd.s32 @!p2 $0xFFFFCE00  }
0xd1: {  	[tilespmem:s0], [sflag:$0x6] =	stream.linear.gather @!p2 [spmem:s1], $0x3200, $0x38;
	[tilespmem:$0xCE60] =	vst v63  }
0xd2: {  	p1 =	sne.s32 s9, $0x32000;
	s5 =	simm.s32 @!p2 $0xC8D0  }
0xd3: {  	[tilespmem:s5], [sflag:$0x2] =	stream.linear.gather @!p2 [hbm4b:s8+s4], $0xD0, $0x38;
	[tilespmem:$0xCE60] =	vst v63  }
.Ltmp0:
0xd4: {  	_ =	swait.ge [sflag:s30], $0x1900;
	(pc) =	sbr.rel @p1 .LBB2_2-.Ltmp0, $4  }
0xd5: {  	[sflag:s30] =	ssyncset.done $0x0  }
0xd6: {  	[sflag:s30] =	ssyncadd.s32 $0xFFFFE700  }
0xd7: {  	_ =	swait.ge [sflag:s30], $0x1900  }
0xd8: {  	s31 =	sadd.s32 $0x12C0, s31;
	[sflag:s30] =	ssyncset.done $0x0  }
0xd9: {  	[sflag:s30] =	ssyncadd.s32 $0xFFFFE700;
	s0 =	simm.s32 $0xD  }
0xda: {  	[hbm4b:s31+s2] =	stream.linear.scatter [tilespmem:s21], [sflag:$0x10], $0x3200, $0x38;
	[tilespmem:$0xCE60] =	vst v63  }
0xdb: {  	_ =	swait.ge [sflag:s0], $0x3200  }
0xdc: {  	[sflag:s0] =	ssyncset.done $0x0  }
0xdd: {  	s8 =	simm.s32 $0xE;
	[sflag:s0] =	ssyncadd.s32 $0xFFFFCE00  }
0xde: {  	_ =	swait.ge [sflag:s8], $0x3200  }
0xdf: {  	[sflag:s8] =	ssyncset.done $0x0  }
0xe0: {  	s9 =	simm.s32 $0xF;
	[sflag:s8] =	ssyncadd.s32 $0xFFFFCE00  }
0xe1: {  	_ =	swait.ge [sflag:s9], $0x3200  }
0xe2: {  	[sflag:s9] =	ssyncset.done $0x0  }
0xe3: {  	s4 =	simm.s32 $0x10;
	[sflag:s9] =	ssyncadd.s32 $0xFFFFCE00  }
0xe4: {  	_ =	swait.ge [sflag:s4], $0x3200  }
0xe5: {  	s7 =	sadd.s32 $0x1, s7;
	s31 =	rddreg [dreg:$0x10]  }
0xe6: {  	p1 =	sne.s32 s7, s31  }
.Ltmp1:
0xe7: {  	_ = 	snop;
	(pc) =	sbr.rel @p1 .LBB2_1-.Ltmp1, $3  }
0xe8: {  	_ =	sdelay $0x1  }
0xe9: {  	[sflag:s4] =	ssyncset.done $0x0  }
0xea: {  	[sflag:s4] =	ssyncadd.s32 $0xFFFFCE00  }
0xeb: {  	_ =	sfence.sel $0x180000  }
0xec: {  	[bflag:$0x0] =	sbarrier.arrive $0xFFFF  }
0xed: {  	_ =	strace $0x90000047  }
0xee: {  	[bflag:$0x2] =	sbarrier.arrive $0xFFFF  }
0xef: {  	s0 =	rddreg [dreg:$0x3]  }
0xf0: {  	s0 =	sadd.s32 @!p0 $0x100000, s0  }
0xf1: {  	[sflag:s0] =	ssyncadd.tile.s32 @!p0 $0x1;
	_ =	shalt  }
.Lfunc_end2:
_tile_overlayer_lowered:
.L_overlay_start_2:
0xf2: {  	(tag) =	ssettag $0x2  }
0xf3: {  	s0 =	rddreg [dreg:$0x0];
	s2 =	stileid.u32  }
0xf4: {  	s1 =	rddreg [dreg:$0x1];
	p0 =	sne.s32 s2, $0x0  }
0xf5: {  	s3 =	rddreg [dreg:$0x2];
	[bflag:$0x3] =	sbarrier.arrive $0xFFFF;
	s2 =	simm.s32 @!p0 $0x1C11  }
0xf6: {  	[timem:s3], [sflag:s2] =	dma.local @!p0 [hbm:s0], s1  }
0xf7: {  	s0 =	simm.s32 @!p0 $0x11  }
0xf8: {  	_ =	swait.ge @!p0 [sflag:s0], s1  }
0xf9: {  	s1 =	ssub.s32 @!p0 $0x0, s1;
	[sflag:s0] =	ssyncset.done @!p0 $0x0  }
0xfa: {  	[sflag:s0] =	ssyncadd.s32 @!p0 s1  }
0xfb: {  	[bflag:$0x3] =	sbarrier.arrive $0xFFFF  }
0xfc: {  	_ =	shalt  }

// kernel: sparse-core-data-format-call.cloned.1.call-start
scs
called_computation_lowered:
.L_overlay_start_0:
0x0: {  	s2 =	sld [smem:$0x3FD9]  }
0x1: {  	s3 =	sld [smem:$0x3FFE];
	_ =	sdelay $0x1  }
0x2: {  	s1 =	srdreg.scid  }
0x3: {  	s0 =	sand.u32 $0x1, s1  }
0x4: {  	s18 =	sshll.u32 s0, $0xA;
	s2 =	sadd.s32 s3, s2  }
0x5: {  	s2 =	sadd.s32 s2, s18  }
0x6: {  	[smem:$0x3FC5] =	sst s2  }
0x7: {  	_ = 	snop  }
0x8: {  	s2 =	sld [smem:$0x3FD0];
	(tm) =	ssettm $0x1  }
0x9: {  	s19 =	sld [smem:$0x3FFB];
	_ =	sdelay $0x3  }
0xa: {  	_ =	strace s19  }
0xb: {  	s3 =	sld [smem:$0x3FFC];
	_ =	sdelay $0x3  }
0xc: {  	_ =	strace s3  }
0xd: {  	s3 =	sld [smem:$0x3FFD];
	_ =	sdelay $0x3  }
0xe: {  	_ =	strace s3  }
0xf: {  	_ =	strace $0x8FFFFFFF  }
0x10: {  	s20 =	sld [smem:$0x3FDB];
	_ =	sdelay $0x1  }
0x11: {  	s4 =	simm.s32 $_scs_section_size  }
0x12: {  	s5 =	simm.s32 $_size__tile_overlayer_lowered;
	s6 =	simm.s32 $_tile_overlayer_lowered  }
0x13: {  	s23 =	simm.s32 $0x1BFF;
	s22 =	sshll.u32 s6, $0x1;
	s3 =	sadd.s32 s4, s20  }
0x14: {  	s7 =	simm.s32 $0x0;
	s21 =	sshll.u32 s5, $0x1;
	s5 =	sadd.s32 s22, s3  }
0x15: {  	[timem:s7], [sflag:s23] =	dma.local [hbm:s5], s21  }
0x16: {  	_ =	swait.ge [sflag:s23], s21  }
0x17: {  	s4 =	ssub.s32 $0x0, s21;
	[sflag:s23] =	ssyncset.done $0x0  }
0x18: {  	[sflag:s23] =	ssyncadd.s32 s4;
	_ =	sdelay $0x1  }
0x19: {  	s24 =	simm.s32 $0x1B8B  }
0x1a: {  	_ =	swait.ge [sflag:s24], $0x1  }
0x1b: {  	[sflag:s24] =	ssyncset.done $0x0  }
0x1c: {  	s26 =	simm.s32 $0x1B8E;
	s25 =	sld [smem:$0x3FFE];
	[sflag:s24] =	ssyncadd.s32 $0xFFFFFFFF  }
0x1d: {  	s27 =	simm.s32 $execute0_lowered;
	[smem:$0x3FD2] =	sst s26  }
0x1e: {  	s5 =	sshll.u32 s27, $0x1;
	_ =	strace $0x80000049;
	[dreg:$0x1] =	wrdreg $0xFFFFFFFF  }
0x1f: {  	s28 =	simm.s32 $_size_execute0_lowered;
	s3 =	sadd.s32 s3, s5;
	[dreg:$0x0] =	wrdreg $0x0  }
0x20: {  	s5 =	sshll.u32 s28, $0x1;
	[dreg:$0x2] =	wrdreg s3  }
0x21: {  	[dreg:$0x3] =	wrdreg s5  }
0x22: {  	[dreg:$0x4] =	wrdreg $0xC0  }
0x23: {  	_ =	task [dreg:s7], $0x5FFFF  }
0x24: {  	[dreg:$0x1] =	wrdreg $0xFFFFFFFF  }
0x25: {  	[dreg:$0x0] =	wrdreg $0x60  }
0x26: {  	[dreg:$0x2] =	wrdreg s25  }
0x27: {  	[dreg:$0x3] =	wrdreg s2  }
0x28: {  	[dreg:$0x4] =	wrdreg $0x9  }
0x29: {  	_ =	task.clear_ibuf [dreg:s7], $0x5FFFF;
	_ =	strace $0x90000049  }
0x2a: {  	s29 =	simm.s32 $0x9;
	_ =	strace $0x8000004B  }
0x2b: {  	_ =	swait.ge [sflag:s29], $0x1  }
0x2c: {  	[sflag:s29] =	ssyncadd.s32 $0xFFFFFFFF  }
0x2d: {  	_ =	strace $0x9000004B  }
0x2e: {  	_ =	sfence  }
0x2f: {  	s30 =	sld [smem:$0x0];
	_ =	sdelay $0x2  }
0x30: {  	s31 =	sshll.u32 s1, $0xD;
	s1 =	sshrl.u32 s1, $0x2  }
0x31: {  	s3 =	sand.u32 $0x4000, s31;
	s1 =	sadd.s32 s1, s30  }
0x32: {  	s0 =	sor.u32 s3, s0;
	s1 =	sshll.u32 s1, $0x11  }
0x33: {  	s0 =	sor.u32 s1, s0  }
0x34: {  	s0 =	sadd.s32 $0x8F2B, s0  }
0x35: {  	[sflag:s0] =	ssyncadd.remote.s32 $0x1  }
0x36: {  	_ =	sfence.sel $0xFFFF  }
0x37: {  	[dreg:$0x0] =	wrdreg $0xFFFFFFFF;
	(pc) =	sbr.abs _section_cstart, $3  }
0x38: {  	[dreg:$0x1] =	wrdreg $0xFFFFFFFF  }
0x39: {  	_ =	task.clear_ibuf [dreg:s7], $0x2FFFF;
	_ =	strace $0x9FFFFFFF  }
0x3a: {  	(tm) =	ssettm $0x7FFFFFFF  }
0x3b: {  	_ =	shalt  }
tec
execute0_lowered:
.L_overlay_start_1:
0x0: {  	(tag) =	ssettag $0x1  }
0x1: {  	s0 =	srdreg.scid  }
0x2: {  	s1 =	sshll.u32 s0, $0x4  }
0x3: {  	s0 =	stileid.u32;
	s1 =	sand.u32 $0x10, s1  }
0x4: {  	s1 =	sor.u32 s0, s1  }
0x5: {  	s6 =	rddreg [dreg:$0x0];
	s4 =	simm.s32 $0x1;
	s2 =	sshll.u32 s1, $0x7  }
0x6: {  	s7 =	simm.s32 $0x2;
	s12 =	simm.s32 $0x0;
	s1 =	ssub.s32 $0x1000, s2  }
0x7: {  	s8 =	simm.s32 $0x8000;
	s13 =	simm.s32 $0x0;
	s3 =	sand.u32 $0xF80, s1  }
0x8: {  	s9 =	simm.s32 $0x0;
	s5 =	sshrl.u32 s1, $0xC;
	p0 =	sne.s32 s3, $0x0  }
.Ltmp0:
0x9: {  	s1 =	rddreg [dreg:$0x2];
	s4 =	simm.s32 @!p0 $0x0;
	(pc) =	sbr.rel .LBB1_1-.Ltmp0, $4  }
0xa: {  	s11 =	simm.s32 $0x0;
	s3 =	rddreg [dreg:$0x1];
	s5 =	sadd.s32 s4, s5  }
0xb: {  	_ =	strace $0x8000004A;
	s4 =	simm.s32 $0x1;
	s5 =	smul.u32 $0xC8, s5  }
0xc: {  	s6 =	sadd.s32 $0xC00, s6;
	s10 =	smov.u32 s2;
	[sflag:s4] =	ssyncpa.u1 $0x0  }
0xd: {  	p0 =	por $0x0, $0x0;
	[sflag:s7] =	ssyncpa.u1 $0x0;
	s7 =	sor.u32 $0x1, s5  }
.LBB1_4:
0xe: {  	s16 =	sshll.u32 s13, $0x3;
	s17 =	sand.u32 $0x78, s13  }
0xf: {  	s30 =	sand.u32 $0x7E00, s13;
	s12 =	sshll.u32 s12, $0xF;
	s16 =	sand.u32 $0xC00, s16  }
0x10: {  	[tilespmem:s15+$0x810 ss:$0x81] =	vst.msk $0xffff, v2;
	s31 =	sand.u32 $0x7, s13;
	s16 =	sor.u32 s17, s16;
	s17 =	sadd.s32 s3, s30  }
0x11: {  	[tilespmem:s15+$0x1020 ss:$0x81] =	vst.msk $0xffff, v0;
	s13 =	sshll.u32 s31, $0x12;
	s12 =	sadd.s32 s12, s17;
	s16 =	sshrl.u32 s16, $0x3  }
0x12: {  	[tilespmem:s15+$0x0 ss:$0x81] =	vst.msk $0xffff, v1;
	s13 =	sor.u32 $0x400, s13;
	s12 =	sadd.s32 s16, s12  }
0x13: {  	[hbm4b:s12+s13] =	stream.strided.scatter [tilespmem:s14], [sflag:$0x2], $0x2000, s8, s13, $0x20;
	[tilespmem:$0x8080] =	vst v63  }
.LBB1_5:
0x14: {  	s14 =	sadd.s32 $0x1, s9  }
0x15: {  	s12 =	sadd.s32 $0x1000, s10;
	s16 =	smov.u32 s10;
	p2 =	sgt.s32 s14, $0xC7  }
0x16: {  	s16 =	smov.u32 @p2 s12  }
0x17: {  	s14 =	simm.s32 @p2 $0x0;
	p2 =	sgt.s32 s16, $0xFFF  }
0x18: {  	s16 =	smov.u32 @p2 s2;
	p2 =	sne.s32 s11, s7  }
.Ltmp1:
0x19: {  	p1 =	slt.u32 s11, $0x2;
	(pc) =	sbr.rel @!p2 .LBB1_6-.Ltmp1, $4  }
0x1a: {  	s15 =	simm.s32 @!p1 $0x2  }
0x1b: {  	s13 =	smov.u32 s10;
	p0 =	por !p0, !p0;
	_ =	swait.ge @!p1 [sflag:s15], $0x2000  }
0x1c: {  	s12 =	smov.u32 s9;
	[sflag:s15] =	ssyncset.done @!p1 $0x0;
	s9 =	smov.u32 s14  }
0x1d: {  	s11 =	sadd.s32 $0x1, s11;
	[sflag:s15] =	ssyncadd.s32 @!p1 $0xFFFFE000;
	s10 =	smov.u32 s16  }
.LBB1_1:
0x1e: {  	p1 =	sge.u32 s11, s5  }
0x1f: {  	s14 =	sand.u32 @!p1 $0x1FFFFFF, s9  }
0x20: {  	s15 =	smulhi.u32 @!p1 $0x147AE15, s14;
	_ =	sdelay $0x1  }
0x21: {  	s15 =	smul.u32 @!p1 $0xC8, s15  }
0x22: {  	s16 =	sxor.u32 @!p1 $0xFFFFFFFF, s11;
	s17 =	smul.u32 @!p1 $0xC80, s10  }
0x23: {  	s31 =	sadd.s32 $0xFFFFFFFF, s11;
	s16 =	sshll.u32 @!p1 s16, $0xD;
	s14 =	ssub.s32 @!p1 s14, s15  }
0x24: {  	s15 =	sand.u32 @!p1 $0x2000, s16;
	s16 =	sadd.s32 @!p1 s6, s17;
	s14 =	sshll.u32 @!p1 s14, $0x4  }
0x25: {  	s17 =	simm.s32 @!p1 $0x6400;
	s14 =	sadd.s32 @!p1 s14, s16;
	s16 =	simm.s32 @!p1 $0x40  }
0x26: {  	[tilespmem:s15], [sflag:$0x1] =	stream.strided.gather @!p1 [hbm4b:s14+s16], $0x2000, s17, s16, $0x38;
	[tilespmem:$0x8080] =	vst v63  }
0x27: {  	p1 =	sge.u32 s31, s5  }
.Ltmp2:
0x28: {  	_ = 	snop;
	(pc) =	sbr.rel @p1 .LBB1_5-.Ltmp2, $1  }
0x29: {  	_ =	sdelay $0x3  }
0x2a: {  	s14 =	simm.s32 $0x1  }
0x2b: {  	_ =	swait.ge [sflag:s4], $0x2000;
	s14 =	simm.s32 @!p0 $0x0  }
0x2c: {  	[sflag:s4] =	ssyncset.done $0x0;
	s15 =	sshll.u32 s14, $0xD  }
0x2d: {  	[sflag:s4] =	ssyncadd.s32 $0xFFFFE000;
	s18 =	sor.u32 $0x20, s15  }
0x2e: {  	s14 =	smul.u32 $0x8100, s14;
	v3 =	vld [tilespmem:s18+$0x10]  }
0x2f: {  	s30 =	sand.u32 $0x1, s11;
	v2 =	vld [tilespmem:s18+$0xFFFFFFF0]  }
0x30: {  	s15 =	smul.u32 $0x8100, s30;
	s14 =	sshrl.u32 s14, $0x2;
	v0 =	vld [tilespmem:s18+$0x0]  }
0x31: {  	v1 =	vld [tilespmem:s18+$0xFFFFFFE0];
	s16 =	sor.u32 $0x4000, s14  }
0x32: {  	s31 =	sshrl.u32 s15, $0x2;
	s15 =	sadd.s32 $0x0, s16  }
0x33: {  	s17 =	simm.s32 $0x4;
	s18 =	sadd.s32 $0x40, s18;
	s14 =	sor.u32 $0x4000, s31;
	[tilespmem:s15+$0x1830 ss:$0x81] =	vst.msk $0xffff, v3  }
.LBB1_3:
0x34: {  	v3 =	vld [tilespmem:s18+$0x10];
	p1 =	sne.s32 s17, $0x1FC;
	[tilespmem:s15+$0x810 ss:$0x81] =	vst.msk $0xffff, v2;
	s19 =	smov.u32 s17;
	s17 =	sadd.s32 $0x4, s17  }
.Ltmp3:
0x35: {  	v2 =	vld [tilespmem:s18+$0xFFFFFFF0];
	[tilespmem:s15+$0x1020 ss:$0x81] =	vst.msk $0xffff, v0;
	(pc) =	sbr.rel @p1 .LBB1_3-.Ltmp3, $4  }
0x36: {  	v0 =	vld [tilespmem:s18+$0x0];
	[tilespmem:s15+$0x0 ss:$0x81] =	vst.msk $0xffff, v1  }
0x37: {  	s15 =	sshra.s32 s19, $0x2;
	v1 =	vld [tilespmem:s18+$0xFFFFFFE0]  }
0x38: {  	s15 =	sadd.s32 s15, s16  }
0x39: {  	s18 =	sadd.s32 $0x40, s18;
	[tilespmem:s15+$0x1830 ss:$0x81] =	vst.msk $0xffff, v3  }
.Ltmp4:
0x3a: {  	_ = 	snop;
	(pc) =	sbr.rel .LBB1_4-.Ltmp4, $1  }
0x3b: {  	_ =	sdelay $0x3  }
.LBB1_6:
0x3c: {  	_ =	sfence.sel $0x180000  }
0x3d: {  	s2 =	simm.s32 $0x1;
	[bflag:$0x0] =	sbarrier.arrive $0xFFFF  }
0x3e: {  	s31 =	simm.s32 $0x2;
	[sflag:s2] =	ssyncpa.u1 $0x1  }
0x3f: {  	[sflag:s31] =	ssyncpa.u1 $0x1  }
0x40: {  	p0 =	sne.s32 s0, $0x0;
	_ =	strace $0x9000004A  }
0x41: {  	s0 =	sadd.s32 @!p0 $0x100000, s1;
	[bflag:$0x2] =	sbarrier.arrive $0xFFFF  }
0x42: {  	[sflag:s0] =	ssyncadd.tile.s32 @!p0 $0x1;
	_ =	shalt  }
.Lfunc_end1:
_tile_overlayer_lowered:
.L_overlay_start_2:
0x43: {  	(tag) =	ssettag $0x2  }
0x44: {  	s0 =	rddreg [dreg:$0x0];
	s2 =	stileid.u32  }
0x45: {  	s1 =	rddreg [dreg:$0x1];
	p0 =	sne.s32 s2, $0x0  }
0x46: {  	s3 =	rddreg [dreg:$0x2];
	[bflag:$0x3] =	sbarrier.arrive $0xFFFF;
	s2 =	simm.s32 @!p0 $0x1C01  }
0x47: {  	[timem:s3], [sflag:s2] =	dma.local @!p0 [hbm:s0], s1  }
0x48: {  	s0 =	simm.s32 @!p0 $0x1  }
0x49: {  	_ =	swait.ge @!p0 [sflag:s0], s1  }
0x4a: {  	s1 =	ssub.s32 @!p0 $0x0, s1;
	[sflag:s0] =	ssyncset.done @!p0 $0x0  }
0x4b: {  	[sflag:s0] =	ssyncadd.s32 @!p0 s1  }
0x4c: {  	[bflag:$0x3] =	sbarrier.arrive $0xFFFF  }
0x4d: {  	_ =	shalt  }

</sc_bundles>
